<compile_context>
chip_gen: v7x
topology: tpu7x:2x2x1
jax: 0.10.2.dev20260603
libtpu: 0.0.44.dev20260713+nightly
codegen_flags: <defaults>
</compile_context>

<pallas_src>
import functools

import jax
import jax.numpy as jnp
from jax import lax
from jax.experimental import pallas as pl
from jax.experimental.pallas import tpu as pltpu
from jax.experimental.pallas import tpu_sc as plsc

NC, NS, L = 2, 16, 16
NW = NC * NS


def _make_sc_kernel(B, P, F, C):
    rows_per_w = B // NW
    nchunk = rows_per_w // C
    nvreg = P // L

    mesh = plsc.VectorSubcoreMesh(core_axis_name="c", subcore_axis_name="s")

    @functools.partial(
        pl.kernel,
        out_type=jax.ShapeDtypeStruct((B, P), jnp.float32),
        mesh=mesh,
        compiler_params=pltpu.CompilerParams(
            needs_layout_passes=False, use_tc_tiling_on_sc=True
        ),
        scratch_types=[
            pltpu.VMEM((C, F), jnp.float32),
            pltpu.VMEM((C, F), jnp.float32),
            pltpu.VMEM((C, P), jnp.float32),
            pltpu.VMEM((C, P), jnp.float32),
            pltpu.VMEM((P,), jnp.int32),
            pltpu.VMEM((P,), jnp.int32),
            pltpu.VMEM((P,), jnp.float32),
            pltpu.SemaphoreType.DMA,
            pltpu.SemaphoreType.DMA,
            pltpu.SemaphoreType.DMA,
            pltpu.SemaphoreType.DMA,
        ],
    )
    def sc_expand(params_hbm, gidx_hbm, free_hbm, dflt_hbm, out_hbm,
                  in0, in1, ob0, ob1, g_v, f_v, d_v, si0, si1, so0, so1):
        wid = lax.axis_index("s") * NC + lax.axis_index("c")
        row0 = wid * rows_per_w
        ins, outs, sis, sos = [in0, in1], [ob0, ob1], [si0, si1], [so0, so1]

        pltpu.sync_copy(gidx_hbm, g_v)
        pltpu.sync_copy(free_hbm, f_v)
        pltpu.sync_copy(dflt_hbm, d_v)

        gc = [g_v[pl.ds(L * v, L)] for v in range(nvreg)]
        dv = [d_v[pl.ds(L * v, L)] for v in range(nvreg)]
        mv = [f_v[pl.ds(L * v, L)] != 0 for v in range(nvreg)]

        def in_src(c):
            return params_hbm.at[pl.ds(row0 + c * C, C)]

        def out_dst(c):
            return out_hbm.at[pl.ds(row0 + c * C, C)]

        def in_dst(b):
            return ins[b]

        pltpu.async_copy(in_src(0), in_dst(0), sis[0])
        pltpu.async_copy(in_src(1), in_dst(1), sis[1])

        @pl.loop(0, nchunk, step=2)
        def _chunkpair(c0):
            for b in range(2):
                c = c0 + b
                pltpu.make_async_copy(in_src(c), in_dst(b), sis[b]).wait()

                @pl.when(c >= 2)
                def _():
                    pltpu.make_async_copy(outs[b], out_dst(c), sos[b]).wait()

                @plsc.parallel_loop(0, C, unroll=8)
                def _row(r):
                    rsplat = jnp.full((L,), r, dtype=jnp.int32)
                    for v in range(nvreg):
                        vals = plsc.load_gather(ins[b], [rsplat, gc[v]])
                        outs[b][r, pl.ds(L * v, L)] = jnp.where(
                            mv[v], vals, dv[v]
                        )

                pltpu.async_copy(outs[b], out_dst(c), sos[b])

                @pl.when(c + 2 < nchunk)
                def _():
                    pltpu.async_copy(in_src(c + 2), in_dst(b), sis[b])

        pltpu.make_async_copy(outs[0], out_dst(nchunk - 2), sos[0]).wait()
        pltpu.make_async_copy(outs[1], out_dst(nchunk - 1), sos[1]).wait()

    return sc_expand


def kernel(params, params_default, free_inds):
    B, F = params.shape
    P = params_default.shape[0]
    is_free = jnp.zeros((P,), jnp.bool_).at[free_inds].set(True)
    inv = jnp.zeros((P,), jnp.int32).at[free_inds].set(
        jnp.arange(F, dtype=jnp.int32)
    )
    freec = is_free.astype(jnp.int32)
    excl = jnp.cumsum(freec) - freec
    vstart = (jnp.arange(P, dtype=jnp.int32) // L) * L
    off_v = excl[vstart]
    nf_v = excl[vstart + L - 1] + freec[vstart + L - 1] - off_v
    fixedc = 1 - freec
    frank = (jnp.cumsum(fixedc) - fixedc) - (vstart - off_v)
    gidx = jnp.where(is_free, inv, (off_v + nf_v + frank) % F).astype(jnp.int32)
    fn = _make_sc_kernel(B, P, F, C=128)
    return fn(
        params,
        gidx,
        freec,
        params_default.astype(jnp.float32),
    )

# --- scband reference (transcript-rebuilt; emitter-appended) ---
"""Pipeline reference for scband-galaxy-parameter-18073222382348 (READ-ONLY COPY).

The authoritative reference and input builder live on the scoring server;
editing this copy changes nothing except your own understanding.
"""

import jax, jax.numpy as jnp
import numpy as np

B = 131072
P = 128  # total number of named galaxy parameters (len(helper.header))


def setup_inputs(seed: int = 0) -> dict:
    key = jax.random.key(seed)
    # fixed params: every 4th index is fixed to 0.5 (via fixed_gp dict);
    # the remaining 96 indices are free and filled from the network output.
    fixed_mask = np.array([(i % 4 == 0) for i in range(P)])
    free_inds = np.array([i for i in range(P) if i % 4 != 0], dtype=np.int32)
    params_default = np.zeros(P, dtype=np.float32)
    params_default[fixed_mask] = 0.5
    params = jax.random.normal(key, (B, free_inds.shape[0]), dtype=jnp.float32)
    return {
        "params": params,
        "params_default": jnp.asarray(params_default),
        "free_inds": jnp.asarray(free_inds),
    }


def reference(params, params_default, free_inds):
    # ParameterSet.forward: tile defaults over batch, scatter free params
    # into the free columns (scatter-overwrite), then derive_full_params
    # which is identity for GalaxyParameter.
    b = params.shape[0]
    params_out = jnp.tile(params_default[None, :], (b, 1))
    params_out = params_out.at[:, free_inds].set(params)
    return params_out

if __name__ == "__main__":
    import jax
    _d = setup_inputs()
    print(jax.jit(kernel)(*tuple(_d.values())))

</pallas_src>

<mosaic_0001>
#map = affine_map<(d0, d1) -> (0, 0)>
#map1 = affine_map<(d0, d1) -> (0)>
module attributes {stable_mosaic.version = 14 : i64} {
  func.func @sc_expand(%arg0: i32, %arg1: i32, %arg2: memref<131072x96xf32, #tpu.memory_space<hbm>>, %arg3: memref<128xi32, #tpu.memory_space<hbm>>, %arg4: memref<128xi32, #tpu.memory_space<hbm>>, %arg5: memref<128xf32, #tpu.memory_space<hbm>>, %arg6: memref<131072x128xf32, #tpu.memory_space<hbm>>, %arg7: memref<128x96xf32, #tpu.memory_space<vmem>>, %arg8: memref<128x96xf32, #tpu.memory_space<vmem>>, %arg9: memref<128x128xf32, #tpu.memory_space<vmem>>, %arg10: memref<128x128xf32, #tpu.memory_space<vmem>>, %arg11: memref<128xi32, #tpu.memory_space<vmem>>, %arg12: memref<128xi32, #tpu.memory_space<vmem>>, %arg13: memref<128xf32, #tpu.memory_space<vmem>>, %arg14: memref<!tpu.dma_semaphore, #tpu.memory_space<semaphore_mem>>, %arg15: memref<!tpu.dma_semaphore, #tpu.memory_space<semaphore_mem>>, %arg16: memref<!tpu.dma_semaphore, #tpu.memory_space<semaphore_mem>>, %arg17: memref<!tpu.dma_semaphore, #tpu.memory_space<semaphore_mem>>) attributes {dimension_semantics = [#tpu.dimension_semantics<core_parallel>, #tpu.dimension_semantics<subcore_parallel>], iteration_bounds = array<i64: 2, 16>, scalar_prefetch = 0 : i64, scratch_operands = 11 : i64, tpu.core_type = #tpu.core_type<sc_vector_subcore>, window_params = [{transform_indices = #map}, {transform_indices = #map1}, {transform_indices = #map1}, {transform_indices = #map1}, {transform_indices = #map}]} {
    %mul3A = arith.constant 2 : i32
    %mul3A_0 = arith.muli %arg1, %mul3A : i32
    %add3A = arith.addi %mul3A_0, %arg0 : i32
    %mul3A_1 = arith.constant 4096 : i32
    %mul3A_2 = arith.muli %add3A, %mul3A_1 : i32
    "tpu.region"() ({
      %run_scoped3A = tpu.sem_alloc : memref<!tpu.dma_semaphore, #tpu.memory_space<semaphore_mem>>
      tpu.enqueue_dma source(%arg3 : memref<128xi32, #tpu.memory_space<hbm>>) target(%arg11 : memref<128xi32, #tpu.memory_space<vmem>>) target_semaphore(%run_scoped3A : memref<!tpu.dma_semaphore, #tpu.memory_space<semaphore_mem>>)
      tpu.wait_dma2 semaphore(%run_scoped3A : memref<!tpu.dma_semaphore, #tpu.memory_space<semaphore_mem>>) src(%arg3 : memref<128xi32, #tpu.memory_space<hbm>>) dst(%arg11 : memref<128xi32, #tpu.memory_space<vmem>>)
      tpu.yield
    }) : () -> ()
    "tpu.region"() ({
      %run_scoped3A = tpu.sem_alloc : memref<!tpu.dma_semaphore, #tpu.memory_space<semaphore_mem>>
      tpu.enqueue_dma source(%arg4 : memref<128xi32, #tpu.memory_space<hbm>>) target(%arg12 : memref<128xi32, #tpu.memory_space<vmem>>) target_semaphore(%run_scoped3A : memref<!tpu.dma_semaphore, #tpu.memory_space<semaphore_mem>>)
      tpu.wait_dma2 semaphore(%run_scoped3A : memref<!tpu.dma_semaphore, #tpu.memory_space<semaphore_mem>>) src(%arg4 : memref<128xi32, #tpu.memory_space<hbm>>) dst(%arg12 : memref<128xi32, #tpu.memory_space<vmem>>)
      tpu.yield
    }) : () -> ()
    "tpu.region"() ({
      %run_scoped3A = tpu.sem_alloc : memref<!tpu.dma_semaphore, #tpu.memory_space<semaphore_mem>>
      tpu.enqueue_dma source(%arg5 : memref<128xf32, #tpu.memory_space<hbm>>) target(%arg13 : memref<128xf32, #tpu.memory_space<vmem>>) target_semaphore(%run_scoped3A : memref<!tpu.dma_semaphore, #tpu.memory_space<semaphore_mem>>)
      tpu.wait_dma2 semaphore(%run_scoped3A : memref<!tpu.dma_semaphore, #tpu.memory_space<semaphore_mem>>) src(%arg5 : memref<128xf32, #tpu.memory_space<hbm>>) dst(%arg13 : memref<128xf32, #tpu.memory_space<vmem>>)
      tpu.yield
    }) : () -> ()
    %get3A = arith.constant 0 : index
    %get3A_3 = tpu.vector_load %arg11[%get3A] {strides = array<i32>} : memref<128xi32, #tpu.memory_space<vmem>>, vector<16xi32>,
    %get3A_4 = arith.constant 16 : index
    %get3A_5 = tpu.vector_load %arg11[%get3A_4] {strides = array<i32>} : memref<128xi32, #tpu.memory_space<vmem>>, vector<16xi32>,
    %get3A_6 = arith.constant 32 : index
    %get3A_7 = tpu.vector_load %arg11[%get3A_6] {strides = array<i32>} : memref<128xi32, #tpu.memory_space<vmem>>, vector<16xi32>,
    %get3A_8 = arith.constant 48 : index
    %get3A_9 = tpu.vector_load %arg11[%get3A_8] {strides = array<i32>} : memref<128xi32, #tpu.memory_space<vmem>>, vector<16xi32>,
    %get3A_10 = arith.constant 64 : index
    %get3A_11 = tpu.vector_load %arg11[%get3A_10] {strides = array<i32>} : memref<128xi32, #tpu.memory_space<vmem>>, vector<16xi32>,
    %get3A_12 = arith.constant 80 : index
    %get3A_13 = tpu.vector_load %arg11[%get3A_12] {strides = array<i32>} : memref<128xi32, #tpu.memory_space<vmem>>, vector<16xi32>,
    %get3A_14 = arith.constant 96 : index
    %get3A_15 = tpu.vector_load %arg11[%get3A_14] {strides = array<i32>} : memref<128xi32, #tpu.memory_space<vmem>>, vector<16xi32>,
    %get3A_16 = arith.constant 112 : index
    %get3A_17 = tpu.vector_load %arg11[%get3A_16] {strides = array<i32>} : memref<128xi32, #tpu.memory_space<vmem>>, vector<16xi32>,
    %get3A_18 = arith.constant 0 : index
    %get3A_19 = tpu.vector_load %arg13[%get3A_18] {strides = array<i32>} : memref<128xf32, #tpu.memory_space<vmem>>, vector<16xf32>,
    %get3A_20 = arith.constant 16 : index
    %get3A_21 = tpu.vector_load %arg13[%get3A_20] {strides = array<i32>} : memref<128xf32, #tpu.memory_space<vmem>>, vector<16xf32>,
    %get3A_22 = arith.constant 32 : index
    %get3A_23 = tpu.vector_load %arg13[%get3A_22] {strides = array<i32>} : memref<128xf32, #tpu.memory_space<vmem>>, vector<16xf32>,
    %get3A_24 = arith.constant 48 : index
    %get3A_25 = tpu.vector_load %arg13[%get3A_24] {strides = array<i32>} : memref<128xf32, #tpu.memory_space<vmem>>, vector<16xf32>,
    %get3A_26 = arith.constant 64 : index
    %get3A_27 = tpu.vector_load %arg13[%get3A_26] {strides = array<i32>} : memref<128xf32, #tpu.memory_space<vmem>>, vector<16xf32>,
    %get3A_28 = arith.constant 80 : index
    %get3A_29 = tpu.vector_load %arg13[%get3A_28] {strides = array<i32>} : memref<128xf32, #tpu.memory_space<vmem>>, vector<16xf32>,
    %get3A_30 = arith.constant 96 : index
    %get3A_31 = tpu.vector_load %arg13[%get3A_30] {strides = array<i32>} : memref<128xf32, #tpu.memory_space<vmem>>, vector<16xf32>,
    %get3A_32 = arith.constant 112 : index
    %get3A_33 = tpu.vector_load %arg13[%get3A_32] {strides = array<i32>} : memref<128xf32, #tpu.memory_space<vmem>>, vector<16xf32>,
    %get3A_34 = arith.constant 0 : index
    %get3A_35 = tpu.vector_load %arg12[%get3A_34] {strides = array<i32>} : memref<128xi32, #tpu.memory_space<vmem>>, vector<16xi32>,
    %ne3A = arith.constant 0 : i32
    %ne3A_36 = vector.broadcast %ne3A : i32 to vector<16xi32>
    %ne3A_37 = arith.cmpi ne, %get3A_35, %ne3A_36 : vector<16xi32>
    %get3A_38 = arith.constant 16 : index
    %get3A_39 = tpu.vector_load %arg12[%get3A_38] {strides = array<i32>} : memref<128xi32, #tpu.memory_space<vmem>>, vector<16xi32>,
    %ne3A_40 = arith.constant 0 : i32
    %ne3A_41 = vector.broadcast %ne3A_40 : i32 to vector<16xi32>
    %ne3A_42 = arith.cmpi ne, %get3A_39, %ne3A_41 : vector<16xi32>
    %get3A_43 = arith.constant 32 : index
    %get3A_44 = tpu.vector_load %arg12[%get3A_43] {strides = array<i32>} : memref<128xi32, #tpu.memory_space<vmem>>, vector<16xi32>,
    %ne3A_45 = arith.constant 0 : i32
    %ne3A_46 = vector.broadcast %ne3A_45 : i32 to vector<16xi32>
    %ne3A_47 = arith.cmpi ne, %get3A_44, %ne3A_46 : vector<16xi32>
    %get3A_48 = arith.constant 48 : index
    %get3A_49 = tpu.vector_load %arg12[%get3A_48] {strides = array<i32>} : memref<128xi32, #tpu.memory_space<vmem>>, vector<16xi32>,
    %ne3A_50 = arith.constant 0 : i32
    %ne3A_51 = vector.broadcast %ne3A_50 : i32 to vector<16xi32>
    %ne3A_52 = arith.cmpi ne, %get3A_49, %ne3A_51 : vector<16xi32>
    %get3A_53 = arith.constant 64 : index
    %get3A_54 = tpu.vector_load %arg12[%get3A_53] {strides = array<i32>} : memref<128xi32, #tpu.memory_space<vmem>>, vector<16xi32>,
    %ne3A_55 = arith.constant 0 : i32
    %ne3A_56 = vector.broadcast %ne3A_55 : i32 to vector<16xi32>
    %ne3A_57 = arith.cmpi ne, %get3A_54, %ne3A_56 : vector<16xi32>
    %get3A_58 = arith.constant 80 : index
    %get3A_59 = tpu.vector_load %arg12[%get3A_58] {strides = array<i32>} : memref<128xi32, #tpu.memory_space<vmem>>, vector<16xi32>,
    %ne3A_60 = arith.constant 0 : i32
    %ne3A_61 = vector.broadcast %ne3A_60 : i32 to vector<16xi32>
    %ne3A_62 = arith.cmpi ne, %get3A_59, %ne3A_61 : vector<16xi32>
    %get3A_63 = arith.constant 96 : index
    %get3A_64 = tpu.vector_load %arg12[%get3A_63] {strides = array<i32>} : memref<128xi32, #tpu.memory_space<vmem>>, vector<16xi32>,
    %ne3A_65 = arith.constant 0 : i32
    %ne3A_66 = vector.broadcast %ne3A_65 : i32 to vector<16xi32>
    %ne3A_67 = arith.cmpi ne, %get3A_64, %ne3A_66 : vector<16xi32>
    %get3A_68 = arith.constant 112 : index
    %get3A_69 = tpu.vector_load %arg12[%get3A_68] {strides = array<i32>} : memref<128xi32, #tpu.memory_space<vmem>>, vector<16xi32>,
    %ne3A_70 = arith.constant 0 : i32
    %ne3A_71 = vector.broadcast %ne3A_70 : i32 to vector<16xi32>
    %ne3A_72 = arith.cmpi ne, %get3A_69, %ne3A_71 : vector<16xi32>
    %add3A_73 = arith.constant 0 : i32
    %add3A_74 = arith.addi %mul3A_2, %add3A_73 : i32
    %dma_start3A = arith.constant 0 : i32
    %dma_start3A_75 = tpu.memref_slice %arg2[%add3A_74, %dma_start3A] : memref<131072x96xf32, #tpu.memory_space<hbm>> -> memref<128x96xf32, #tpu.memory_space<hbm>>
    %dma_start3A_76 = arith.constant 0 : i32
    %dma_start3A_77 = tpu.memref_slice %arg2[%add3A_74, %dma_start3A_76] : memref<131072x96xf32, #tpu.memory_space<hbm>> -> memref<128x96xf32, #tpu.memory_space<hbm>>
    tpu.enqueue_dma source(%dma_start3A_77 : memref<128x96xf32, #tpu.memory_space<hbm>>) target(%arg7 : memref<128x96xf32, #tpu.memory_space<vmem>>) target_semaphore(%arg14 : memref<!tpu.dma_semaphore, #tpu.memory_space<semaphore_mem>>)
    %add3A_78 = arith.constant 128 : i32
    %add3A_79 = arith.addi %mul3A_2, %add3A_78 : i32
    %dma_start3A_80 = arith.constant 0 : i32
    %dma_start3A_81 = tpu.memref_slice %arg2[%add3A_79, %dma_start3A_80] : memref<131072x96xf32, #tpu.memory_space<hbm>> -> memref<128x96xf32, #tpu.memory_space<hbm>>
    %dma_start3A_82 = arith.constant 0 : i32
    %dma_start3A_83 = tpu.memref_slice %arg2[%add3A_79, %dma_start3A_82] : memref<131072x96xf32, #tpu.memory_space<hbm>> -> memref<128x96xf32, #tpu.memory_space<hbm>>
    tpu.enqueue_dma source(%dma_start3A_83 : memref<128x96xf32, #tpu.memory_space<hbm>>) target(%arg8 : memref<128x96xf32, #tpu.memory_space<vmem>>) target_semaphore(%arg15 : memref<!tpu.dma_semaphore, #tpu.memory_space<semaphore_mem>>)
    %scan3A = arith.constant 0 : i32
    %scan3A_84 = arith.constant 16 : i32
    %scan3A_85 = arith.addi %scan3A, %scan3A_84 : i32
    %scan3A_86 = arith.constant 1 : i32
    scf.for %scan3A_99 = %scan3A to %scan3A_85 step %scan3A_86  : i32 {
      %mul3A_100 = arith.constant 2 : i32
      %mul3A_101 = arith.muli %scan3A_99, %mul3A_100 : i32
      %add3A_102 = arith.constant 0 : i32
      %add3A_103 = arith.addi %add3A_102, %mul3A_101 : i32
      %add3A_104 = arith.constant 0 : i32
      %add3A_105 = arith.addi %add3A_103, %add3A_104 : i32
      %mul3A_106 = arith.constant 128 : i32
      %mul3A_107 = arith.muli %add3A_105, %mul3A_106 : i32
      %add3A_108 = arith.addi %mul3A_2, %mul3A_107 : i32
      %dma_wait3A_109 = arith.constant 0 : i32
      %dma_wait3A_110 = tpu.memref_slice %arg2[%add3A_108, %dma_wait3A_109] : memref<131072x96xf32, #tpu.memory_space<hbm>> -> memref<128x96xf32, #tpu.memory_space<hbm>>
      %dma_wait3A_111 = arith.constant 0 : i32
      %dma_wait3A_112 = tpu.memref_slice %arg2[%add3A_108, %dma_wait3A_111] : memref<131072x96xf32, #tpu.memory_space<hbm>> -> memref<128x96xf32, #tpu.memory_space<hbm>>
      tpu.wait_dma2 semaphore(%arg14 : memref<!tpu.dma_semaphore, #tpu.memory_space<semaphore_mem>>) src(%dma_wait3A_112 : memref<128x96xf32, #tpu.memory_space<hbm>>) dst(%arg7 : memref<128x96xf32, #tpu.memory_space<vmem>>)
      %ge3A = arith.constant 2 : i32
      %ge3A_113 = arith.cmpi sge, %add3A_105, %ge3A : i32
      %convert_element_type3A = arith.extui %ge3A_113 : i1 to i32
      %cond3A = arith.constant 0 : i32
      %cond3A_114 = arith.cmpi ne, %convert_element_type3A, %cond3A : i32
      scf.if %cond3A_114 {
        %mul3A_161 = arith.constant 128 : i32
        %mul3A_162 = arith.muli %add3A_105, %mul3A_161 : i32
        %add3A_163 = arith.addi %mul3A_2, %mul3A_162 : i32
        %dma_wait3A_164 = arith.constant 0 : i32
        %dma_wait3A_165 = tpu.memref_slice %arg6[%add3A_163, %dma_wait3A_164] : memref<131072x128xf32, #tpu.memory_space<hbm>> -> memref<128x128xf32, #tpu.memory_space<hbm>>
        %dma_wait3A_166 = arith.constant 0 : i32
        %dma_wait3A_167 = tpu.memref_slice %arg6[%add3A_163, %dma_wait3A_166] : memref<131072x128xf32, #tpu.memory_space<hbm>> -> memref<128x128xf32, #tpu.memory_space<hbm>>
        tpu.wait_dma2 semaphore(%arg16 : memref<!tpu.dma_semaphore, #tpu.memory_space<semaphore_mem>>) src(%arg9 : memref<128x128xf32, #tpu.memory_space<vmem>>) dst(%dma_wait3A_167 : memref<128x128xf32, #tpu.memory_space<hbm>>)
      } else {
      }
      %parallel_loop3A = arith.constant 0 : i32
      %parallel_loop3A_115 = arith.constant 128 : i32
      %parallel_loop3A_116 = arith.constant 1 : i32
      scf.for %parallel_loop3A_161 = %parallel_loop3A to %parallel_loop3A_115 step %parallel_loop3A_116  : i32 {
        %parallel_loop3A_162 = vector.broadcast %parallel_loop3A_161 : i32 to vector<16xi32>
        %parallel_loop3A_163 = tpu.vector_load_idx %arg7[%parallel_loop3A_162, %get3A_3] : memref<128x96xf32, #tpu.memory_space<vmem>>[vector<16xi32>, vector<16xi32>], vector<16xf32>,
        %parallel_loop3A_164 = arith.select %ne3A_37, %parallel_loop3A_163, %get3A_19 : vector<16xi1>, vector<16xf32>
        %parallel_loop3A_165 = arith.index_cast %parallel_loop3A_161 : i32 to index
        %parallel_loop3A_166 = arith.constant 0 : index
        %parallel_loop3A_167 = tpu.vector_load %arg9[%parallel_loop3A_165, %parallel_loop3A_166] {strides = array<i32>} : memref<128x128xf32, #tpu.memory_space<vmem>>, vector<16xf32>,
        tpu.vector_store %arg9[%parallel_loop3A_165, %parallel_loop3A_166], %parallel_loop3A_164 {strides = array<i32>} : memref<128x128xf32, #tpu.memory_space<vmem>>, vector<16xf32>,
        %parallel_loop3A_168 = tpu.vector_load_idx %arg7[%parallel_loop3A_162, %get3A_5] : memref<128x96xf32, #tpu.memory_space<vmem>>[vector<16xi32>, vector<16xi32>], vector<16xf32>,
        %parallel_loop3A_169 = arith.select %ne3A_42, %parallel_loop3A_168, %get3A_21 : vector<16xi1>, vector<16xf32>
        %parallel_loop3A_170 = arith.index_cast %parallel_loop3A_161 : i32 to index
        %parallel_loop3A_171 = arith.constant 16 : index
        %parallel_loop3A_172 = tpu.vector_load %arg9[%parallel_loop3A_170, %parallel_loop3A_171] {strides = array<i32>} : memref<128x128xf32, #tpu.memory_space<vmem>>, vector<16xf32>,
        tpu.vector_store %arg9[%parallel_loop3A_170, %parallel_loop3A_171], %parallel_loop3A_169 {strides = array<i32>} : memref<128x128xf32, #tpu.memory_space<vmem>>, vector<16xf32>,
        %parallel_loop3A_173 = tpu.vector_load_idx %arg7[%parallel_loop3A_162, %get3A_7] : memref<128x96xf32, #tpu.memory_space<vmem>>[vector<16xi32>, vector<16xi32>], vector<16xf32>,
        %parallel_loop3A_174 = arith.select %ne3A_47, %parallel_loop3A_173, %get3A_23 : vector<16xi1>, vector<16xf32>
        %parallel_loop3A_175 = arith.index_cast %parallel_loop3A_161 : i32 to index
        %parallel_loop3A_176 = arith.constant 32 : index
        %parallel_loop3A_177 = tpu.vector_load %arg9[%parallel_loop3A_175, %parallel_loop3A_176] {strides = array<i32>} : memref<128x128xf32, #tpu.memory_space<vmem>>, vector<16xf32>,
        tpu.vector_store %arg9[%parallel_loop3A_175, %parallel_loop3A_176], %parallel_loop3A_174 {strides = array<i32>} : memref<128x128xf32, #tpu.memory_space<vmem>>, vector<16xf32>,
        %parallel_loop3A_178 = tpu.vector_load_idx %arg7[%parallel_loop3A_162, %get3A_9] : memref<128x96xf32, #tpu.memory_space<vmem>>[vector<16xi32>, vector<16xi32>], vector<16xf32>,
        %parallel_loop3A_179 = arith.select %ne3A_52, %parallel_loop3A_178, %get3A_25 : vector<16xi1>, vector<16xf32>
        %parallel_loop3A_180 = arith.index_cast %parallel_loop3A_161 : i32 to index
        %parallel_loop3A_181 = arith.constant 48 : index
        %parallel_loop3A_182 = tpu.vector_load %arg9[%parallel_loop3A_180, %parallel_loop3A_181] {strides = array<i32>} : memref<128x128xf32, #tpu.memory_space<vmem>>, vector<16xf32>,
        tpu.vector_store %arg9[%parallel_loop3A_180, %parallel_loop3A_181], %parallel_loop3A_179 {strides = array<i32>} : memref<128x128xf32, #tpu.memory_space<vmem>>, vector<16xf32>,
        %parallel_loop3A_183 = tpu.vector_load_idx %arg7[%parallel_loop3A_162, %get3A_11] : memref<128x96xf32, #tpu.memory_space<vmem>>[vector<16xi32>, vector<16xi32>], vector<16xf32>,
        %parallel_loop3A_184 = arith.select %ne3A_57, %parallel_loop3A_183, %get3A_27 : vector<16xi1>, vector<16xf32>
        %parallel_loop3A_185 = arith.index_cast %parallel_loop3A_161 : i32 to index
        %parallel_loop3A_186 = arith.constant 64 : index
        %parallel_loop3A_187 = tpu.vector_load %arg9[%parallel_loop3A_185, %parallel_loop3A_186] {strides = array<i32>} : memref<128x128xf32, #tpu.memory_space<vmem>>, vector<16xf32>,
        tpu.vector_store %arg9[%parallel_loop3A_185, %parallel_loop3A_186], %parallel_loop3A_184 {strides = array<i32>} : memref<128x128xf32, #tpu.memory_space<vmem>>, vector<16xf32>,
        %parallel_loop3A_188 = tpu.vector_load_idx %arg7[%parallel_loop3A_162, %get3A_13] : memref<128x96xf32, #tpu.memory_space<vmem>>[vector<16xi32>, vector<16xi32>], vector<16xf32>,
        %parallel_loop3A_189 = arith.select %ne3A_62, %parallel_loop3A_188, %get3A_29 : vector<16xi1>, vector<16xf32>
        %parallel_loop3A_190 = arith.index_cast %parallel_loop3A_161 : i32 to index
        %parallel_loop3A_191 = arith.constant 80 : index
        %parallel_loop3A_192 = tpu.vector_load %arg9[%parallel_loop3A_190, %parallel_loop3A_191] {strides = array<i32>} : memref<128x128xf32, #tpu.memory_space<vmem>>, vector<16xf32>,
        tpu.vector_store %arg9[%parallel_loop3A_190, %parallel_loop3A_191], %parallel_loop3A_189 {strides = array<i32>} : memref<128x128xf32, #tpu.memory_space<vmem>>, vector<16xf32>,
        %parallel_loop3A_193 = tpu.vector_load_idx %arg7[%parallel_loop3A_162, %get3A_15] : memref<128x96xf32, #tpu.memory_space<vmem>>[vector<16xi32>, vector<16xi32>], vector<16xf32>,
        %parallel_loop3A_194 = arith.select %ne3A_67, %parallel_loop3A_193, %get3A_31 : vector<16xi1>, vector<16xf32>
        %parallel_loop3A_195 = arith.index_cast %parallel_loop3A_161 : i32 to index
        %parallel_loop3A_196 = arith.constant 96 : index
        %parallel_loop3A_197 = tpu.vector_load %arg9[%parallel_loop3A_195, %parallel_loop3A_196] {strides = array<i32>} : memref<128x128xf32, #tpu.memory_space<vmem>>, vector<16xf32>,
        tpu.vector_store %arg9[%parallel_loop3A_195, %parallel_loop3A_196], %parallel_loop3A_194 {strides = array<i32>} : memref<128x128xf32, #tpu.memory_space<vmem>>, vector<16xf32>,
        %parallel_loop3A_198 = tpu.vector_load_idx %arg7[%parallel_loop3A_162, %get3A_17] : memref<128x96xf32, #tpu.memory_space<vmem>>[vector<16xi32>, vector<16xi32>], vector<16xf32>,
        %parallel_loop3A_199 = arith.select %ne3A_72, %parallel_loop3A_198, %get3A_33 : vector<16xi1>, vector<16xf32>
        %parallel_loop3A_200 = arith.index_cast %parallel_loop3A_161 : i32 to index
        %parallel_loop3A_201 = arith.constant 112 : index
        %parallel_loop3A_202 = tpu.vector_load %arg9[%parallel_loop3A_200, %parallel_loop3A_201] {strides = array<i32>} : memref<128x128xf32, #tpu.memory_space<vmem>>, vector<16xf32>,
        tpu.vector_store %arg9[%parallel_loop3A_200, %parallel_loop3A_201], %parallel_loop3A_199 {strides = array<i32>} : memref<128x128xf32, #tpu.memory_space<vmem>>, vector<16xf32>,
      } {sc.loop_unroll_factor = 8 : i64, sc.parallel_access}
      %mul3A_117 = arith.constant 128 : i32
      %mul3A_118 = arith.muli %add3A_105, %mul3A_117 : i32
      %add3A_119 = arith.addi %mul3A_2, %mul3A_118 : i32
      %dma_start3A_120 = arith.constant 0 : i32
      %dma_start3A_121 = tpu.memref_slice %arg6[%add3A_119, %dma_start3A_120] : memref<131072x128xf32, #tpu.memory_space<hbm>> -> memref<128x128xf32, #tpu.memory_space<hbm>>
      %dma_start3A_122 = arith.constant 0 : i32
      %dma_start3A_123 = tpu.memref_slice %arg6[%add3A_119, %dma_start3A_122] : memref<131072x128xf32, #tpu.memory_space<hbm>> -> memref<128x128xf32, #tpu.memory_space<hbm>>
      tpu.enqueue_dma source(%arg9 : memref<128x128xf32, #tpu.memory_space<vmem>>) target(%dma_start3A_123 : memref<128x128xf32, #tpu.memory_space<hbm>>) target_semaphore(%arg16 : memref<!tpu.dma_semaphore, #tpu.memory_space<semaphore_mem>>)
      %add3A_124 = arith.constant 2 : i32
      %add3A_125 = arith.addi %add3A_105, %add3A_124 : i32
      %lt3A = arith.constant 32 : i32
      %lt3A_126 = arith.cmpi slt, %add3A_125, %lt3A : i32
      %convert_element_type3A_127 = arith.extui %lt3A_126 : i1 to i32
      %cond3A_128 = arith.constant 0 : i32
      %cond3A_129 = arith.cmpi ne, %convert_element_type3A_127, %cond3A_128 : i32
      scf.if %cond3A_129 {
        %add3A_161 = arith.constant 2 : i32
        %add3A_162 = arith.addi %add3A_105, %add3A_161 : i32
        %mul3A_163 = arith.constant 128 : i32
        %mul3A_164 = arith.muli %add3A_162, %mul3A_163 : i32
        %add3A_165 = arith.addi %mul3A_2, %mul3A_164 : i32
        %dma_start3A_166 = arith.constant 0 : i32
        %dma_start3A_167 = tpu.memref_slice %arg2[%add3A_165, %dma_start3A_166] : memref<131072x96xf32, #tpu.memory_space<hbm>> -> memref<128x96xf32, #tpu.memory_space<hbm>>
        %dma_start3A_168 = arith.constant 0 : i32
        %dma_start3A_169 = tpu.memref_slice %arg2[%add3A_165, %dma_start3A_168] : memref<131072x96xf32, #tpu.memory_space<hbm>> -> memref<128x96xf32, #tpu.memory_space<hbm>>
        tpu.enqueue_dma source(%dma_start3A_169 : memref<128x96xf32, #tpu.memory_space<hbm>>) target(%arg7 : memref<128x96xf32, #tpu.memory_space<vmem>>) target_semaphore(%arg14 : memref<!tpu.dma_semaphore, #tpu.memory_space<semaphore_mem>>)
      } else {
      }
      %add3A_130 = arith.constant 1 : i32
      %add3A_131 = arith.addi %add3A_103, %add3A_130 : i32
      %mul3A_132 = arith.constant 128 : i32
      %mul3A_133 = arith.muli %add3A_131, %mul3A_132 : i32
      %add3A_134 = arith.addi %mul3A_2, %mul3A_133 : i32
      %dma_wait3A_135 = arith.constant 0 : i32
      %dma_wait3A_136 = tpu.memref_slice %arg2[%add3A_134, %dma_wait3A_135] : memref<131072x96xf32, #tpu.memory_space<hbm>> -> memref<128x96xf32, #tpu.memory_space<hbm>>
      %dma_wait3A_137 = arith.constant 0 : i32
      %dma_wait3A_138 = tpu.memref_slice %arg2[%add3A_134, %dma_wait3A_137] : memref<131072x96xf32, #tpu.memory_space<hbm>> -> memref<128x96xf32, #tpu.memory_space<hbm>>
      tpu.wait_dma2 semaphore(%arg15 : memref<!tpu.dma_semaphore, #tpu.memory_space<semaphore_mem>>) src(%dma_wait3A_138 : memref<128x96xf32, #tpu.memory_space<hbm>>) dst(%arg8 : memref<128x96xf32, #tpu.memory_space<vmem>>)
      %ge3A_139 = arith.constant 2 : i32
      %ge3A_140 = arith.cmpi sge, %add3A_131, %ge3A_139 : i32
      %convert_element_type3A_141 = arith.extui %ge3A_140 : i1 to i32
      %cond3A_142 = arith.constant 0 : i32
      %cond3A_143 = arith.cmpi ne, %convert_element_type3A_141, %cond3A_142 : i32
      scf.if %cond3A_143 {
        %mul3A_161 = arith.constant 128 : i32
        %mul3A_162 = arith.muli %add3A_131, %mul3A_161 : i32
        %add3A_163 = arith.addi %mul3A_2, %mul3A_162 : i32
        %dma_wait3A_164 = arith.constant 0 : i32
        %dma_wait3A_165 = tpu.memref_slice %arg6[%add3A_163, %dma_wait3A_164] : memref<131072x128xf32, #tpu.memory_space<hbm>> -> memref<128x128xf32, #tpu.memory_space<hbm>>
        %dma_wait3A_166 = arith.constant 0 : i32
        %dma_wait3A_167 = tpu.memref_slice %arg6[%add3A_163, %dma_wait3A_166] : memref<131072x128xf32, #tpu.memory_space<hbm>> -> memref<128x128xf32, #tpu.memory_space<hbm>>
        tpu.wait_dma2 semaphore(%arg17 : memref<!tpu.dma_semaphore, #tpu.memory_space<semaphore_mem>>) src(%arg10 : memref<128x128xf32, #tpu.memory_space<vmem>>) dst(%dma_wait3A_167 : memref<128x128xf32, #tpu.memory_space<hbm>>)
      } else {
      }
      %parallel_loop3A_144 = arith.constant 0 : i32
      %parallel_loop3A_145 = arith.constant 128 : i32
      %parallel_loop3A_146 = arith.constant 1 : i32
      scf.for %parallel_loop3A_161 = %parallel_loop3A_144 to %parallel_loop3A_145 step %parallel_loop3A_146  : i32 {
        %parallel_loop3A_162 = vector.broadcast %parallel_loop3A_161 : i32 to vector<16xi32>
        %parallel_loop3A_163 = tpu.vector_load_idx %arg8[%parallel_loop3A_162, %get3A_3] : memref<128x96xf32, #tpu.memory_space<vmem>>[vector<16xi32>, vector<16xi32>], vector<16xf32>,
        %parallel_loop3A_164 = arith.select %ne3A_37, %parallel_loop3A_163, %get3A_19 : vector<16xi1>, vector<16xf32>
        %parallel_loop3A_165 = arith.index_cast %parallel_loop3A_161 : i32 to index
        %parallel_loop3A_166 = arith.constant 0 : index
        %parallel_loop3A_167 = tpu.vector_load %arg10[%parallel_loop3A_165, %parallel_loop3A_166] {strides = array<i32>} : memref<128x128xf32, #tpu.memory_space<vmem>>, vector<16xf32>,
        tpu.vector_store %arg10[%parallel_loop3A_165, %parallel_loop3A_166], %parallel_loop3A_164 {strides = array<i32>} : memref<128x128xf32, #tpu.memory_space<vmem>>, vector<16xf32>,
        %parallel_loop3A_168 = tpu.vector_load_idx %arg8[%parallel_loop3A_162, %get3A_5] : memref<128x96xf32, #tpu.memory_space<vmem>>[vector<16xi32>, vector<16xi32>], vector<16xf32>,
        %parallel_loop3A_169 = arith.select %ne3A_42, %parallel_loop3A_168, %get3A_21 : vector<16xi1>, vector<16xf32>
        %parallel_loop3A_170 = arith.index_cast %parallel_loop3A_161 : i32 to index
        %parallel_loop3A_171 = arith.constant 16 : index
        %parallel_loop3A_172 = tpu.vector_load %arg10[%parallel_loop3A_170, %parallel_loop3A_171] {strides = array<i32>} : memref<128x128xf32, #tpu.memory_space<vmem>>, vector<16xf32>,
        tpu.vector_store %arg10[%parallel_loop3A_170, %parallel_loop3A_171], %parallel_loop3A_169 {strides = array<i32>} : memref<128x128xf32, #tpu.memory_space<vmem>>, vector<16xf32>,
        %parallel_loop3A_173 = tpu.vector_load_idx %arg8[%parallel_loop3A_162, %get3A_7] : memref<128x96xf32, #tpu.memory_space<vmem>>[vector<16xi32>, vector<16xi32>], vector<16xf32>,
        %parallel_loop3A_174 = arith.select %ne3A_47, %parallel_loop3A_173, %get3A_23 : vector<16xi1>, vector<16xf32>
        %parallel_loop3A_175 = arith.index_cast %parallel_loop3A_161 : i32 to index
        %parallel_loop3A_176 = arith.constant 32 : index
        %parallel_loop3A_177 = tpu.vector_load %arg10[%parallel_loop3A_175, %parallel_loop3A_176] {strides = array<i32>} : memref<128x128xf32, #tpu.memory_space<vmem>>, vector<16xf32>,
        tpu.vector_store %arg10[%parallel_loop3A_175, %parallel_loop3A_176], %parallel_loop3A_174 {strides = array<i32>} : memref<128x128xf32, #tpu.memory_space<vmem>>, vector<16xf32>,
        %parallel_loop3A_178 = tpu.vector_load_idx %arg8[%parallel_loop3A_162, %get3A_9] : memref<128x96xf32, #tpu.memory_space<vmem>>[vector<16xi32>, vector<16xi32>], vector<16xf32>,
        %parallel_loop3A_179 = arith.select %ne3A_52, %parallel_loop3A_178, %get3A_25 : vector<16xi1>, vector<16xf32>
        %parallel_loop3A_180 = arith.index_cast %parallel_loop3A_161 : i32 to index
        %parallel_loop3A_181 = arith.constant 48 : index
        %parallel_loop3A_182 = tpu.vector_load %arg10[%parallel_loop3A_180, %parallel_loop3A_181] {strides = array<i32>} : memref<128x128xf32, #tpu.memory_space<vmem>>, vector<16xf32>,
        tpu.vector_store %arg10[%parallel_loop3A_180, %parallel_loop3A_181], %parallel_loop3A_179 {strides = array<i32>} : memref<128x128xf32, #tpu.memory_space<vmem>>, vector<16xf32>,
        %parallel_loop3A_183 = tpu.vector_load_idx %arg8[%parallel_loop3A_162, %get3A_11] : memref<128x96xf32, #tpu.memory_space<vmem>>[vector<16xi32>, vector<16xi32>], vector<16xf32>,
        %parallel_loop3A_184 = arith.select %ne3A_57, %parallel_loop3A_183, %get3A_27 : vector<16xi1>, vector<16xf32>
        %parallel_loop3A_185 = arith.index_cast %parallel_loop3A_161 : i32 to index
        %parallel_loop3A_186 = arith.constant 64 : index
        %parallel_loop3A_187 = tpu.vector_load %arg10[%parallel_loop3A_185, %parallel_loop3A_186] {strides = array<i32>} : memref<128x128xf32, #tpu.memory_space<vmem>>, vector<16xf32>,
        tpu.vector_store %arg10[%parallel_loop3A_185, %parallel_loop3A_186], %parallel_loop3A_184 {strides = array<i32>} : memref<128x128xf32, #tpu.memory_space<vmem>>, vector<16xf32>,
        %parallel_loop3A_188 = tpu.vector_load_idx %arg8[%parallel_loop3A_162, %get3A_13] : memref<128x96xf32, #tpu.memory_space<vmem>>[vector<16xi32>, vector<16xi32>], vector<16xf32>,
        %parallel_loop3A_189 = arith.select %ne3A_62, %parallel_loop3A_188, %get3A_29 : vector<16xi1>, vector<16xf32>
        %parallel_loop3A_190 = arith.index_cast %parallel_loop3A_161 : i32 to index
        %parallel_loop3A_191 = arith.constant 80 : index
        %parallel_loop3A_192 = tpu.vector_load %arg10[%parallel_loop3A_190, %parallel_loop3A_191] {strides = array<i32>} : memref<128x128xf32, #tpu.memory_space<vmem>>, vector<16xf32>,
        tpu.vector_store %arg10[%parallel_loop3A_190, %parallel_loop3A_191], %parallel_loop3A_189 {strides = array<i32>} : memref<128x128xf32, #tpu.memory_space<vmem>>, vector<16xf32>,
        %parallel_loop3A_193 = tpu.vector_load_idx %arg8[%parallel_loop3A_162, %get3A_15] : memref<128x96xf32, #tpu.memory_space<vmem>>[vector<16xi32>, vector<16xi32>], vector<16xf32>,
        %parallel_loop3A_194 = arith.select %ne3A_67, %parallel_loop3A_193, %get3A_31 : vector<16xi1>, vector<16xf32>
        %parallel_loop3A_195 = arith.index_cast %parallel_loop3A_161 : i32 to index
        %parallel_loop3A_196 = arith.constant 96 : index
        %parallel_loop3A_197 = tpu.vector_load %arg10[%parallel_loop3A_195, %parallel_loop3A_196] {strides = array<i32>} : memref<128x128xf32, #tpu.memory_space<vmem>>, vector<16xf32>,
        tpu.vector_store %arg10[%parallel_loop3A_195, %parallel_loop3A_196], %parallel_loop3A_194 {strides = array<i32>} : memref<128x128xf32, #tpu.memory_space<vmem>>, vector<16xf32>,
        %parallel_loop3A_198 = tpu.vector_load_idx %arg8[%parallel_loop3A_162, %get3A_17] : memref<128x96xf32, #tpu.memory_space<vmem>>[vector<16xi32>, vector<16xi32>], vector<16xf32>,
        %parallel_loop3A_199 = arith.select %ne3A_72, %parallel_loop3A_198, %get3A_33 : vector<16xi1>, vector<16xf32>
        %parallel_loop3A_200 = arith.index_cast %parallel_loop3A_161 : i32 to index
        %parallel_loop3A_201 = arith.constant 112 : index
        %parallel_loop3A_202 = tpu.vector_load %arg10[%parallel_loop3A_200, %parallel_loop3A_201] {strides = array<i32>} : memref<128x128xf32, #tpu.memory_space<vmem>>, vector<16xf32>,
        tpu.vector_store %arg10[%parallel_loop3A_200, %parallel_loop3A_201], %parallel_loop3A_199 {strides = array<i32>} : memref<128x128xf32, #tpu.memory_space<vmem>>, vector<16xf32>,
      } {sc.loop_unroll_factor = 8 : i64, sc.parallel_access}
      %mul3A_147 = arith.constant 128 : i32
      %mul3A_148 = arith.muli %add3A_131, %mul3A_147 : i32
      %add3A_149 = arith.addi %mul3A_2, %mul3A_148 : i32
      %dma_start3A_150 = arith.constant 0 : i32
      %dma_start3A_151 = tpu.memref_slice %arg6[%add3A_149, %dma_start3A_150] : memref<131072x128xf32, #tpu.memory_space<hbm>> -> memref<128x128xf32, #tpu.memory_space<hbm>>
      %dma_start3A_152 = arith.constant 0 : i32
      %dma_start3A_153 = tpu.memref_slice %arg6[%add3A_149, %dma_start3A_152] : memref<131072x128xf32, #tpu.memory_space<hbm>> -> memref<128x128xf32, #tpu.memory_space<hbm>>
      tpu.enqueue_dma source(%arg10 : memref<128x128xf32, #tpu.memory_space<vmem>>) target(%dma_start3A_153 : memref<128x128xf32, #tpu.memory_space<hbm>>) target_semaphore(%arg17 : memref<!tpu.dma_semaphore, #tpu.memory_space<semaphore_mem>>)
      %add3A_154 = arith.constant 2 : i32
      %add3A_155 = arith.addi %add3A_131, %add3A_154 : i32
      %lt3A_156 = arith.constant 32 : i32
      %lt3A_157 = arith.cmpi slt, %add3A_155, %lt3A_156 : i32
      %convert_element_type3A_158 = arith.extui %lt3A_157 : i1 to i32
      %cond3A_159 = arith.constant 0 : i32
      %cond3A_160 = arith.cmpi ne, %convert_element_type3A_158, %cond3A_159 : i32
      scf.if %cond3A_160 {
        %add3A_161 = arith.constant 2 : i32
        %add3A_162 = arith.addi %add3A_131, %add3A_161 : i32
        %mul3A_163 = arith.constant 128 : i32
        %mul3A_164 = arith.muli %add3A_162, %mul3A_163 : i32
        %add3A_165 = arith.addi %mul3A_2, %mul3A_164 : i32
        %dma_start3A_166 = arith.constant 0 : i32
        %dma_start3A_167 = tpu.memref_slice %arg2[%add3A_165, %dma_start3A_166] : memref<131072x96xf32, #tpu.memory_space<hbm>> -> memref<128x96xf32, #tpu.memory_space<hbm>>
        %dma_start3A_168 = arith.constant 0 : i32
        %dma_start3A_169 = tpu.memref_slice %arg2[%add3A_165, %dma_start3A_168] : memref<131072x96xf32, #tpu.memory_space<hbm>> -> memref<128x96xf32, #tpu.memory_space<hbm>>
        tpu.enqueue_dma source(%dma_start3A_169 : memref<128x96xf32, #tpu.memory_space<hbm>>) target(%arg8 : memref<128x96xf32, #tpu.memory_space<vmem>>) target_semaphore(%arg15 : memref<!tpu.dma_semaphore, #tpu.memory_space<semaphore_mem>>)
      } else {
      }
    }
    %scan3A_87 = arith.constant 16 : i32
    %add3A_88 = arith.constant 3840 : i32
    %add3A_89 = arith.addi %mul3A_2, %add3A_88 : i32
    %dma_wait3A = arith.constant 0 : i32
    %dma_wait3A_90 = tpu.memref_slice %arg6[%add3A_89, %dma_wait3A] : memref<131072x128xf32, #tpu.memory_space<hbm>> -> memref<128x128xf32, #tpu.memory_space<hbm>>
    %dma_wait3A_91 = arith.constant 0 : i32
    %dma_wait3A_92 = tpu.memref_slice %arg6[%add3A_89, %dma_wait3A_91] : memref<131072x128xf32, #tpu.memory_space<hbm>> -> memref<128x128xf32, #tpu.memory_space<hbm>>
    tpu.wait_dma2 semaphore(%arg16 : memref<!tpu.dma_semaphore, #tpu.memory_space<semaphore_mem>>) src(%arg9 : memref<128x128xf32, #tpu.memory_space<vmem>>) dst(%dma_wait3A_92 : memref<128x128xf32, #tpu.memory_space<hbm>>)
    %add3A_93 = arith.constant 3968 : i32
    %add3A_94 = arith.addi %mul3A_2, %add3A_93 : i32
    %dma_wait3A_95 = arith.constant 0 : i32
    %dma_wait3A_96 = tpu.memref_slice %arg6[%add3A_94, %dma_wait3A_95] : memref<131072x128xf32, #tpu.memory_space<hbm>> -> memref<128x128xf32, #tpu.memory_space<hbm>>
    %dma_wait3A_97 = arith.constant 0 : i32
    %dma_wait3A_98 = tpu.memref_slice %arg6[%add3A_94, %dma_wait3A_97] : memref<131072x128xf32, #tpu.memory_space<hbm>> -> memref<128x128xf32, #tpu.memory_space<hbm>>
    tpu.wait_dma2 semaphore(%arg17 : memref<!tpu.dma_semaphore, #tpu.memory_space<semaphore_mem>>) src(%arg10 : memref<128x128xf32, #tpu.memory_space<vmem>>) dst(%dma_wait3A_98 : memref<128x128xf32, #tpu.memory_space<hbm>>)
    return
  }
}

</mosaic_0001>

<sc_bundles>
// kernel: kernel.3.cloned.1.call-start
scs
__scs_entry_jumppad:
0x0: {  	(pc) =	sbr.rel $0x88, $3  }
0x1: {  	(tag) =	ssettag $0x0;
	lr =	simm.s32 $0x1  }
0x2: {  	[smem:$0x3F9E] =	sst lr;
	_ =	strace $0xD0000000  }
0x3: {  	_ = 	snop  }
0x4: {  	_ = 	snop  }
0x5: {  	_ = 	snop  }
0x6: {  	_ = 	snop  }
0x7: {  	_ = 	snop  }
__scs_overlays_trampoline_lowered:
0x8: {  	[smem:$0x3FAD] =	sst s0  }
0x9: {  	[smem:$0x3FAE] =	sst s1  }
0xa: {  	[smem:$0x3FAF] =	sst s2  }
0xb: {  	[smem:$0x3FB0] =	sst s3  }
0xc: {  	[smem:$0x3FB1] =	sst s4  }
0xd: {  	[smem:$0x3FB2] =	sst s5  }
0xe: {  	[smem:$0x3FB3] =	sst s6  }
0xf: {  	[smem:$0x3FB4] =	sst s7  }
0x10: {  	[smem:$0x3FB5] =	sst s8  }
0x11: {  	[smem:$0x3FB6] =	sst s9;
	s0 =	simm.s32 @!p0 $0x0  }
0x12: {  	s1 =	sld [smem:$0x3F9C];
	s0 =	simm.s32 @p0 $0x1  }
0x13: {  	[smem:$0x3FB7] =	sst s0;
	s0 =	simm.s32 @!p1 $0x0  }
0x14: {  	s2 =	sld [smem:$0x3F9B];
	s0 =	simm.s32 @p1 $0x1  }
0x15: {  	[smem:$0x3FB8] =	sst s0;
	s0 =	simm.s32 @!p2 $0x0  }
0x16: {  	s3 =	sld [smem:$0x3FDB];
	s0 =	simm.s32 @p2 $0x1  }
0x17: {  	s4 =	simm.s32 $0x1BF5;
	[smem:$0x3FBA] =	sst s0  }
0x18: {  	s0 =	sld [smem:$0x3F9D];
	_ =	swait.ge [sflag:s4], $0x0  }
0x19: {  	s7 =	sld [smem:$0x3F9E]  }
0x1a: {  	s8 =	sadd.s32 $0xFFFFE003, lr  }
0x1b: {  	s9 =	sadd.s32 $0xFFFFFEF7, lr;
	s5 =	simm.s32 $0xFFFFFFFF;
	p2 =	slt.u32 s8, $0xFFFFF086  }
0x1c: {  	p1 =	slt.u32 s9, $0xF7A;
	s5 =	simm.s32 @!p2 $0x0  }
0x1d: {  	s5 =	simm.s32 @p1 $0x1;
	p0 =	seq.s32 s7, s2  }
0x1e: {  	s7 =	smul.u32 @!p0 $0xF7A, s2;
	p2 =	seq.s32 @!p0 s5, $0x0  }
0x1f: {  	s9 =	smul.u32 $0xF7A, s1;
	s8 =	simm.s32 @!p0 $0x1BF5;
	p2 =	por !p2, p0  }
0x20: {  	[sflag:s8] =	ssyncset.s32 @!p0 $0xFFFFF086;
	s6 =	sadd.s32 @!p0 s3, s7;
	s7 =	simm.s32 @!p0 $0x108  }
0x21: {  	s3 =	sadd.s32 s3, s9;
	s6 =	sadd.s32 @!p0 $0x88, s6;
	s7 =	simm.s32 @p2 $0x1082  }
0x22: {  	[simem:s7], [sflag:s8] =	dma.local @!p0 [hbm:s6], $0xF7A  }
0x23: {  	s9 =	sor.u32 $0xD0000000, s2;
	s6 =	simm.s32 $0x108;
	_ =	swait.ge @!p0 [sflag:s8], $0x0  }
0x24: {  	s3 =	sadd.s32 $0x88, s3;
	s6 =	simm.s32 @!p1 $0x1082;
	[sflag:s4] =	ssyncset.s32 $0xFFFFF086  }
0x25: {  	[simem:s6], [sflag:s4] =	dma.local [hbm:s3], $0xF7A  }
0x26: {  	[smem:$0x3F9E] =	sst s1;
	(tag) =	ssettag s2;
	_ =	strace s9  }
0x27: {  	s1 =	sld [smem:$0x3FAE]  }
0x28: {  	s2 =	sld [smem:$0x3FAF]  }
0x29: {  	s4 =	sld [smem:$0x3FB1]  }
0x2a: {  	p0 =	seq.s32 s5, $0x0;
	s5 =	sld [smem:$0x3FB2]  }
0x2b: {  	s6 =	sld [smem:$0x3FB3]  }
0x2c: {  	s7 =	sld [smem:$0x3FB4]  }
0x2d: {  	s3 =	simm.s32 $0x108;
	s8 =	sld [smem:$0x3FB5]  }
0x2e: {  	s3 =	simm.s32 @!p0 $0x1082;
	s9 =	sld [smem:$0x3FB6]  }
0x2f: {  	lr =	sadd.s32 s0, s3;
	s0 =	sld [smem:$0x3FAD]  }
0x30: {  	s3 =	sld [smem:$0x3FB0]  }
0x31: {  	[smem:$0x3FB9] =	sst s10  }
0x32: {  	s10 =	sld [smem:$0x3FB7];
	_ =	sdelay $0x3  }
0x33: {  	p0 =	seq.s32 s10, $0x1;
	s10 =	sld [smem:$0x3FB9];
	_ =	sdelay $0x3  }
0x34: {  	[smem:$0x3FB9] =	sst s10  }
0x35: {  	s10 =	sld [smem:$0x3FB8];
	_ =	sdelay $0x3  }
0x36: {  	p1 =	seq.s32 s10, $0x1;
	s10 =	sld [smem:$0x3FB9];
	_ =	sdelay $0x3  }
0x37: {  	[smem:$0x3FB9] =	sst s10  }
0x38: {  	s10 =	sld [smem:$0x3FBA]  }
0x39: {  	_ = 	snop;
	(pc) =	sbr.ind lr, $3  }
0x3a: {  	_ = 	snop  }
0x3b: {  	_ = 	snop  }
0x3c: {  	p2 =	seq.s32 s10, $0x1;
	s10 =	sld [smem:$0x3FB9]  }
0x3d: {  	_ =	shalt  }
0x3e: {  	_ =	shalt  }
0x3f: {  	_ =	shalt  }
0x40: {  	_ =	shalt  }
0x41: {  	_ =	shalt  }
0x42: {  	_ =	shalt  }
0x43: {  	_ =	shalt  }
0x44: {  	_ =	shalt  }
0x45: {  	_ =	shalt  }
0x46: {  	_ =	shalt  }
0x47: {  	_ =	shalt  }
0x48: {  	_ =	shalt  }
0x49: {  	_ =	shalt  }
0x4a: {  	_ =	shalt  }
0x4b: {  	_ =	shalt  }
0x4c: {  	_ =	shalt  }
0x4d: {  	_ =	shalt  }
0x4e: {  	_ =	shalt  }
0x4f: {  	_ =	shalt  }
0x50: {  	_ =	shalt  }
0x51: {  	_ =	shalt  }
0x52: {  	_ =	shalt  }
0x53: {  	_ =	shalt  }
0x54: {  	_ =	shalt  }
0x55: {  	_ =	shalt  }
0x56: {  	_ =	shalt  }
0x57: {  	_ =	shalt  }
0x58: {  	_ =	shalt  }
0x59: {  	_ =	shalt  }
0x5a: {  	_ =	shalt  }
0x5b: {  	_ =	shalt  }
0x5c: {  	_ =	shalt  }
0x5d: {  	_ =	shalt  }
0x5e: {  	_ =	shalt  }
0x5f: {  	_ =	shalt  }
0x60: {  	_ =	shalt  }
0x61: {  	_ =	shalt  }
0x62: {  	_ =	shalt  }
0x63: {  	_ =	shalt  }
0x64: {  	_ =	shalt  }
0x65: {  	_ =	shalt  }
0x66: {  	_ =	shalt  }
0x67: {  	_ =	shalt  }
0x68: {  	_ =	shalt  }
0x69: {  	_ =	shalt  }
0x6a: {  	_ =	shalt  }
0x6b: {  	_ =	shalt  }
0x6c: {  	_ =	shalt  }
0x6d: {  	_ =	shalt  }
0x6e: {  	_ =	shalt  }
0x6f: {  	_ =	shalt  }
0x70: {  	_ =	shalt  }
0x71: {  	_ =	shalt  }
0x72: {  	_ =	shalt  }
0x73: {  	_ =	shalt  }
0x74: {  	_ =	shalt  }
0x75: {  	_ =	shalt  }
0x76: {  	_ =	shalt  }
0x77: {  	_ =	shalt  }
0x78: {  	_ =	shalt  }
0x79: {  	_ =	shalt  }
0x7a: {  	_ =	shalt  }
0x7b: {  	_ =	shalt  }
0x7c: {  	_ =	shalt  }
0x7d: {  	_ =	shalt  }
0x7e: {  	_ =	shalt  }
0x7f: {  	_ =	shalt  }
0x80: {  	_ =	shalt  }
0x81: {  	_ =	shalt  }
0x82: {  	_ =	shalt  }
0x83: {  	_ =	shalt  }
0x84: {  	_ =	shalt  }
0x85: {  	_ =	shalt  }
0x86: {  	_ =	shalt  }
0x87: {  	_ =	shalt  }
.Lfunc_end0:
.L_simem_size_0:
called_computation_lowered:
.L_overlay_start_0:
0x88: {  	s2 =	sld [smem:$0x3FD9]  }
0x89: {  	s3 =	sld [smem:$0x3FFE];
	_ =	sdelay $0x1  }
0x8a: {  	s1 =	srdreg.scid  }
0x8b: {  	s0 =	sand.u32 $0x1, s1  }
0x8c: {  	s17 =	sshll.u32 s0, $0xA;
	s2 =	sadd.s32 s3, s2  }
0x8d: {  	s2 =	sadd.s32 s2, s17  }
0x8e: {  	[smem:$0x3FC5] =	sst s2  }
0x8f: {  	_ = 	snop  }
0x90: {  	s2 =	sld [smem:$0x3FC8]  }
0x91: {  	s18 =	sld [smem:$0x3FD0];
	(tm) =	ssettm $0x1  }
0x92: {  	s4 =	sld [smem:$0x3FFB];
	_ =	sdelay $0x3  }
0x93: {  	_ =	strace s4  }
0x94: {  	s4 =	sld [smem:$0x3FFC];
	_ =	sdelay $0x3  }
0x95: {  	_ =	strace s4  }
0x96: {  	s4 =	sld [smem:$0x3FFD];
	_ =	sdelay $0x3  }
0x97: {  	_ =	strace s4  }
0x98: {  	_ =	strace $0x8FFFFFFF  }
0x99: {  	s19 =	sld [smem:$0x3FDB];
	_ =	sdelay $0x1  }
0x9a: {  	s5 =	simm.s32 $_scs_section_size  }
0x9b: {  	s6 =	simm.s32 $_size__tile_overlayer_lowered;
	s7 =	simm.s32 $_tile_overlayer_lowered  }
0x9c: {  	s22 =	simm.s32 $0x1BFF;
	s21 =	sshll.u32 s7, $0x1;
	s4 =	sadd.s32 s5, s19  }
0x9d: {  	s8 =	simm.s32 $0x0;
	s20 =	sshll.u32 s6, $0x1;
	s6 =	sadd.s32 s21, s4  }
0x9e: {  	[timem:s8], [sflag:s22] =	dma.local [hbm:s6], s20  }
0x9f: {  	_ =	swait.ge [sflag:s22], s20  }
0xa0: {  	s5 =	ssub.s32 $0x0, s20;
	[sflag:s22] =	ssyncset.done $0x0  }
0xa1: {  	[sflag:s22] =	ssyncadd.s32 s5;
	_ =	sdelay $0x1  }
0xa2: {  	s23 =	simm.s32 $0x1B8B  }
0xa3: {  	_ =	swait.ge [sflag:s23], $0x1  }
0xa4: {  	[sflag:s23] =	ssyncset.done $0x0  }
0xa5: {  	s25 =	simm.s32 $0x1B8E;
	s24 =	sld [smem:$0x3FFE];
	[sflag:s23] =	ssyncadd.s32 $0xFFFFFFFF  }
0xa6: {  	s26 =	simm.s32 $execute0_lowered;
	[smem:$0x3FD2] =	sst s25  }
0xa7: {  	s6 =	sshll.u32 s26, $0x1;
	_ =	strace $0x80000046;
	[dreg:$0x1] =	wrdreg $0xFFFFFFFF  }
0xa8: {  	s28 =	simm.s32 $_size_execute0_lowered;
	s4 =	sadd.s32 s4, s6;
	[dreg:$0x0] =	wrdreg $0x0  }
0xa9: {  	s6 =	sshll.u32 s28, $0x1;
	[dreg:$0x2] =	wrdreg s4  }
0xaa: {  	[dreg:$0x3] =	wrdreg s6  }
0xab: {  	[dreg:$0x4] =	wrdreg $0xC0  }
0xac: {  	_ =	task [dreg:s8], $0x5FFFF  }
0xad: {  	[dreg:$0x1] =	wrdreg $0xFFFFFFFF  }
0xae: {  	[dreg:$0x0] =	wrdreg $0x60  }
0xaf: {  	[dreg:$0x2] =	wrdreg s24  }
0xb0: {  	[dreg:$0x3] =	wrdreg s2  }
0xb1: {  	[dreg:$0x4] =	wrdreg s18  }
0xb2: {  	[dreg:$0x5] =	wrdreg $0x9  }
0xb3: {  	_ =	task.clear_ibuf [dreg:s8], $0x6FFFF;
	_ =	strace $0x90000046  }
0xb4: {  	s29 =	simm.s32 $0x9;
	_ =	strace $0x80000048  }
0xb5: {  	_ =	swait.ge [sflag:s29], $0x1  }
0xb6: {  	[sflag:s29] =	ssyncadd.s32 $0xFFFFFFFF  }
0xb7: {  	_ =	strace $0x90000048  }
0xb8: {  	_ =	sfence  }
0xb9: {  	s30 =	sld [smem:$0x0];
	_ =	sdelay $0x2  }
0xba: {  	s31 =	sshll.u32 s1, $0xD;
	s1 =	sshrl.u32 s1, $0x2  }
0xbb: {  	s3 =	sand.u32 $0x4000, s31;
	s1 =	sadd.s32 s1, s30  }
0xbc: {  	s0 =	sor.u32 s3, s0;
	s1 =	sshll.u32 s1, $0x11  }
0xbd: {  	s0 =	sor.u32 s1, s0  }
0xbe: {  	s0 =	sadd.s32 $0x8F2B, s0  }
0xbf: {  	[sflag:s0] =	ssyncadd.remote.s32 $0x1  }
0xc0: {  	_ =	sfence.sel $0xFFFF  }
0xc1: {  	[dreg:$0x0] =	wrdreg $0xFFFFFFFF;
	(pc) =	sbr.abs _section_cstart, $3  }
0xc2: {  	[dreg:$0x1] =	wrdreg $0xFFFFFFFF  }
0xc3: {  	_ =	task.clear_ibuf [dreg:s8], $0x2FFFF;
	_ =	strace $0x9FFFFFFF  }
0xc4: {  	(tm) =	ssettm $0x7FFFFFFF  }
0xc5: {  	_ =	shalt  }
tec
execute0_lowered:
.L_overlay_start_1:
0x0: {  	(tag) =	ssettag $0x1  }
0x1: {  	s6 =	rddreg [dreg:$0x0]  }
0x2: {  	s0 =	rddreg [dreg:$0x2]  }
0x3: {  	s1 =	srdreg.scid;
	s2 =	stileid.u32;
	s4 =	simm.s32 $0x0  }
0x4: {  	s17 =	simm.s32 $0x4000;
	s18 =	simm.s32 $0x1;
	s20 =	simm.s32 $0x2  }
0x5: {  	s21 =	simm.s32 $0x4;
	s22 =	simm.s32 $0xC000;
	s1 =	sand.u32 $0x1, s1  }
0x6: {  	s2 =	sshll.u32 s2, $0x11;
	[smem:$0x7FF] =	sst s4;
	s3 =	sshll.u32 s1, $0x10  }
0x7: {  	s1 =	ssub.s32 $0x2, s1;
	_ =	strace $0x80000047;
	s2 =	sor.u32 s3, s2  }
0x8: {  	s5 =	sshrl.u32 s1, $0x1;
	s3 =	sadd.s32 s2, s6;
	s6 =	sadd.s32 $0x200200, s6  }
.Ltmp0:
0x9: {  	[dreg:$0x4] =	wrdreg s6;
	s28 =	sadd.s32 $0x200, s3;
	(pc) =	sbr.rel .LBB2_1-.Ltmp0, $4  }
0xa: {  	s1 =	ssub.s32 s1, s5;
	s29 =	sadd.s32 $0xA00, s3;
	[dreg:$0x5] =	wrdreg s28  }
0xb: {  	s8 =	sadd.s32 s0, s2;
	s30 =	sadd.s32 $0x1200, s3;
	[dreg:$0x6] =	wrdreg s29  }
0xc: {  	s10 =	sadd.s32 $0x1A00, s3;
	s31 =	smax.u32 s1, $0x1;
	[dreg:$0x7] =	wrdreg s30  }
0xd: {  	s12 =	sadd.s32 $0x800, s8;
	s1 =	simm.s32 $0x0;
	[dreg:$0x8] =	wrdreg s31  }
.LBB2_12:
0xe: {  	s0 =	simm.s32 $0x3  }
0xf: {  	_ =	swait.ge [sflag:s0], $0x4000  }
0x10: {  	[sflag:s0] =	ssyncset.done $0x0  }
0x11: {  	[sflag:s0] =	ssyncadd.s32 $0xFFFFC000  }
0x12: {  	_ =	swait.ge [sflag:s21], $0x4000  }
0x13: {  	s1 =	rddreg [dreg:$0x9]  }
0x14: {  	s31 =	rddreg [dreg:$0x8];
	s1 =	sadd.s32 $0x1, s1  }
0x15: {  	p0 =	sne.s32 s1, s31  }
.Ltmp1:
0x16: {  	_ = 	snop;
	(pc) =	sbr.rel @!p0 .LBB2_13-.Ltmp1, $3  }
0x17: {  	_ =	sdelay $0x1  }
0x18: {  	[sflag:s21] =	ssyncset.done $0x0  }
0x19: {  	[sflag:s21] =	ssyncadd.s32 $0xFFFFC000  }
.LBB2_1:
0x1a: {  	[dreg:$0x9] =	wrdreg s1  }
0x1b: {  	s0 =	rddreg [dreg:$0x4];
	s24 =	simm.s32 $0x10000;
	s25 =	simm.s32 $0x5  }
0x1c: {  	[tilespmem:s24], [sflag:$0x5] =	stream.linear.gather [hbm4b:s0+s4], $0x80, $0x38;
	[tilespmem:$0x10180] =	vst v63  }
0x1d: {  	_ =	swait.ge [sflag:s25], $0x80  }
0x1e: {  	[sflag:s25] =	ssyncset.done $0x0  }
0x1f: {  	[sflag:s25] =	ssyncadd.s32 $0xFFFFFF80  }
0x20: {  	s2 =	simm.s32 $0x10080;
	s26 =	rddreg [dreg:$0x0]  }
0x21: {  	[tilespmem:s2], [sflag:$0x5] =	stream.linear.gather [hbm4b:s26+s4], $0x80, $0x38;
	[tilespmem:$0x10180] =	vst v63  }
0x22: {  	_ =	swait.ge [sflag:s25], $0x80  }
0x23: {  	[sflag:s25] =	ssyncset.done $0x0  }
0x24: {  	[sflag:s25] =	ssyncadd.s32 $0xFFFFFF80  }
0x25: {  	s29 =	simm.s32 $0x10100;
	s28 =	rddreg [dreg:$0x1]  }
0x26: {  	[tilespmem:s29], [sflag:$0x5] =	stream.linear.gather [hbm4b:s28+s4], $0x80, $0x38;
	[tilespmem:$0x10180] =	vst v63  }
0x27: {  	_ =	swait.ge [sflag:s25], $0x80  }
0x28: {  	[sflag:s25] =	ssyncset.done $0x0  }
0x29: {  	[sflag:s25] =	ssyncadd.s32 $0xFFFFFF80  }
0x2a: {  	v0 =	vld [tilespmem:$0x10000]  }
0x2b: {  	v1 =	vld [tilespmem:$0x10010]  }
0x2c: {  	v2 =	vld [tilespmem:$0x10020]  }
0x2d: {  	v3 =	vld [tilespmem:$0x10030]  }
0x2e: {  	v4 =	vld [tilespmem:$0x10040]  }
0x2f: {  	v5 =	vld [tilespmem:$0x10050]  }
0x30: {  	v6 =	vld [tilespmem:$0x10060]  }
0x31: {  	v7 =	vld [tilespmem:$0x10070]  }
0x32: {  	v8 =	vld [tilespmem:$0x10100]  }
0x33: {  	v9 =	vld [tilespmem:$0x10110]  }
0x34: {  	v10 =	vld [tilespmem:$0x10120]  }
0x35: {  	v11 =	vld [tilespmem:$0x10130]  }
0x36: {  	v12 =	vld [tilespmem:$0x10140]  }
0x37: {  	v16 =	vld [tilespmem:$0x10080]  }
0x38: {  	v17 =	vld [tilespmem:$0x10090]  }
0x39: {  	v18 =	vld [tilespmem:$0x100B0]  }
0x3a: {  	v19 =	vld [tilespmem:$0x100C0]  }
0x3b: {  	v20 =	vld [tilespmem:$0x100E0]  }
0x3c: {  	v21 =	vld [tilespmem:$0x100F0]  }
0x3d: {  	v22 =	vld [tilespmem:$0x100D0]  }
0x3e: {  	v23 =	vld [tilespmem:$0x100A0]  }
0x3f: {  	v13 =	vld [tilespmem:$0x10150]  }
0x40: {  	s30 =	rddreg [dreg:$0x5];
	v14 =	vld [tilespmem:$0x10160]  }
0x41: {  	v15 =	vld [tilespmem:$0x10170];
	[tilespmem:s4], [sflag:$0x1] =	stream.linear.gather [hbm4b:s30+s4], $0x4000, $0x38;
	vm0 =	veq.s32 v21, $0x0;
	vm1 =	veq.s32 v20, $0x0  }
0x42: {  	s31 =	rddreg [dreg:$0x6];
	s25 =	simm.s32 $0x0;
	vm2 =	veq.s32 v22, $0x0;
	vm3 =	veq.s32 v19, $0x0;
	vm4 =	veq.s32 v18, $0x0  }
0x43: {  	[tilespmem:s17], [sflag:$0x2] =	stream.linear.gather [hbm4b:s31+s4], $0x4000, $0x38;
	vm5 =	veq.s32 v23, $0x0;
	vm6 =	veq.s32 v17, $0x0;
	vm7 =	veq.s32 v16, $0x0;
	[tilespmem:$0x10180] =	vst v63  }
.LBB2_2:
0x44: {  	_ =	swait.ge [sflag:s18], $0x4000;
	s23 =	simm.s32 $0x280  }
0x45: {  	p0 =	seq.s32 s25, $0x0;
	s26 =	simm.s32 $0x380;
	[sflag:s18] =	ssyncset.done $0x0;
	v16 =	vadd.s32 s23, v0  }
0x46: {  	s14 =	simm.s32 $0x300;
	s0 =	simm.s32 @!p0 $0x3;
	v18 =	vadd.s32 s26, v0;
	[sflag:s18] =	ssyncadd.s32 $0xFFFFC000  }
0x47: {  	s6 =	simm.s32 $0x0;
	v17 =	vadd.s32 s14, v0;
	_ =	swait.ge @!p0 [sflag:s0], $0x4000  }
0x48: {  	s29 =	simm.s32 $0x180;
	v19 =	vadd.s32 s6, v0;
	[sflag:s0] =	ssyncset.done @!p0 $0x0  }
0x49: {  	v23 =	vadd.s32 s29, v0;
	[sflag:s0] =	ssyncadd.s32 @!p0 $0xFFFFC000  }
0x4a: {  	s11 =	simm.s32 $0x80;
	v16 =	vld.idx.msk [tilespmem:v16+s4+$0x0], $0xffff  }
0x4b: {  	v22 =	vadd.s32 s11, v0;
	v18 =	vld.idx.msk [tilespmem:v18+s4+$0x0], $0xffff  }
0x4c: {  	v20 =	vadd.s32 s23, v1;
	v17 =	vld.idx.msk [tilespmem:v17+s4+$0x0], $0xffff  }
0x4d: {  	v24 =	vadd.s32 s26, v1;
	v19 =	vld.idx.msk [tilespmem:v19+s4+$0x0], $0xffff  }
0x4e: {  	s2 =	simm.s32 $0x580;
	v21 =	vadd.s32 s14, v1;
	v23 =	vld.idx.msk [tilespmem:v23+s4+$0x0], $0xffff  }
0x4f: {  	s28 =	simm.s32 $0x8200;
	v29 =	vadd.s32 s2, v0;
	v16 =	vsel vm7, v8, v16  }
0x50: {  	s30 =	simm.s32 $0x100;
	v27 =	vadd.s32 s29, v1;
	v22 =	vld.idx.msk [tilespmem:v22+s4+$0x0], $0xffff;
	v18 =	vsel vm7, v8, v18;
	[tilespmem:s28+$0x80] =	vst v16  }
0x51: {  	s7 =	simm.s32 $0x200;
	v16 =	vsel vm7, v8, v17;
	v17 =	vadd.s32 s30, v0;
	[tilespmem:s28+$0x180] =	vst v18;
	v20 =	vld.idx.msk [tilespmem:v20+s4+$0x0], $0xffff  }
0x52: {  	v19 =	vsel vm7, v8, v19;
	[tilespmem:s28+$0x100] =	vst v16;
	v16 =	vadd.s32 s7, v0;
	v24 =	vld.idx.msk [tilespmem:v24+s4+$0x0], $0xffff  }
0x53: {  	v25 =	vadd.s32 s23, v2;
	[tilespmem:s28+$0xFFFFFE00] =	vst v19;
	v19 =	vsel vm7, v8, v23;
	v21 =	vld.idx.msk [tilespmem:v21+s4+$0x0], $0xffff  }
0x54: {  	v28 =	vadd.s32 s26, v2;
	v29 =	vld.idx.msk [tilespmem:v29+s4+$0x0], $0xffff;
	[tilespmem:s28+$0xFFFFFF80] =	vst v19  }
0x55: {  	s16 =	simm.s32 $0x700;
	v26 =	vadd.s32 s14, v2;
	v22 =	vsel vm7, v8, v22;
	v27 =	vld.idx.msk [tilespmem:v27+s4+$0x0], $0xffff  }
0x56: {  	v33 =	vadd.s32 s16, v0;
	[tilespmem:s28+$0xFFFFFE80] =	vst v22;
	v17 =	vld.idx.msk [tilespmem:v17+s4+$0x0], $0xffff;
	v20 =	vsel vm6, v9, v20  }
0x57: {  	v18 =	vadd.s32 s6, v1;
	v16 =	vld.idx.msk [tilespmem:v16+s4+$0x0], $0xffff;
	v24 =	vsel vm6, v9, v24;
	[tilespmem:s28+$0x90] =	vst v20  }
0x58: {  	v20 =	vsel vm6, v9, v21;
	v21 =	vadd.s32 s11, v1;
	[tilespmem:s28+$0x190] =	vst v24;
	v25 =	vld.idx.msk [tilespmem:v25+s4+$0x0], $0xffff  }
0x59: {  	v24 =	vadd.s32 s7, v1;
	[tilespmem:s28+$0x110] =	vst v20;
	v22 =	vld.idx.msk [tilespmem:v28+s4+$0x0], $0xffff  }
0x5a: {  	s5 =	simm.s32 $0x8600;
	v29 =	vsel vm7, v8, v29;
	v28 =	vadd.s32 s29, v2;
	v23 =	vld.idx.msk [tilespmem:v26+s4+$0x0], $0xffff  }
0x5b: {  	[tilespmem:s5+$0xFFFFFF80] =	vst v29;
	v29 =	vld.idx.msk [tilespmem:v33+s4+$0x0], $0xffff;
	v19 =	vadd.s32 s23, v3;
	v17 =	vsel vm7, v8, v17  }
0x5c: {  	v18 =	vld.idx.msk [tilespmem:v18+s4+$0x0], $0xffff;
	v26 =	vadd.s32 s14, v3;
	[tilespmem:s28+$0xFFFFFF00] =	vst v17;
	v16 =	vsel vm7, v8, v16  }
0x5d: {  	v20 =	vadd.s32 s30, v1;
	v21 =	vld.idx.msk [tilespmem:v21+s4+$0x0], $0xffff;
	[tilespmem:s28+$0x0] =	vst v16;
	v16 =	vsel vm6, v9, v27  }
0x5e: {  	v17 =	vsel vm5, v10, v25;
	v25 =	vadd.s32 s26, v3;
	[tilespmem:s28+$0xFFFFFF90] =	vst v16;
	v16 =	vld.idx.msk [tilespmem:v24+s4+$0x0], $0xffff  }
0x5f: {  	[tilespmem:s28+$0xA0] =	vst v17;
	v17 =	vsel vm5, v10, v23;
	v23 =	vadd.s32 s11, v2;
	v27 =	vld.idx.msk [tilespmem:v28+s4+$0x0], $0xffff  }
0x60: {  	v19 =	vld.idx.msk [tilespmem:v19+s4+$0x0], $0xffff;
	[tilespmem:s28+$0x120] =	vst v17;
	v17 =	vadd.s32 s6, v2  }
0x61: {  	v22 =	vsel vm5, v10, v22;
	v28 =	vadd.s32 s7, v2;
	v26 =	vld.idx.msk [tilespmem:v26+s4+$0x0], $0xffff  }
0x62: {  	v20 =	vld.idx.msk [tilespmem:v20+s4+$0x0], $0xffff;
	v24 =	vadd.s32 s23, v4;
	[tilespmem:s28+$0x1A0] =	vst v22;
	v21 =	vsel vm6, v9, v21  }
0x63: {  	v18 =	vsel vm6, v9, v18;
	v22 =	vadd.s32 s14, v4;
	[tilespmem:s28+$0xFFFFFE90] =	vst v21;
	v21 =	vld.idx.msk [tilespmem:v25+s4+$0x0], $0xffff  }
0x64: {  	[tilespmem:s28+$0xFFFFFE10] =	vst v18;
	v25 =	vadd.s32 s29, v3;
	v16 =	vsel vm6, v9, v16;
	v23 =	vld.idx.msk [tilespmem:v23+s4+$0x0], $0xffff  }
0x65: {  	[tilespmem:s28+$0x10] =	vst v16;
	v18 =	vsel vm4, v11, v19;
	v17 =	vld.idx.msk [tilespmem:v17+s4+$0x0], $0xffff;
	v19 =	vadd.s32 s26, v4  }
0x66: {  	v16 =	vsel vm5, v10, v27;
	v27 =	vld.idx.msk [tilespmem:v28+s4+$0x0], $0xffff;
	[tilespmem:s28+$0xB0] =	vst v18;
	v18 =	vsel vm4, v11, v26;
	v26 =	vadd.s32 s11, v3  }
0x67: {  	v24 =	vld.idx.msk [tilespmem:v24+s4+$0x0], $0xffff;
	[tilespmem:s28+$0x130] =	vst v18;
	v18 =	vadd.s32 s6, v3  }
0x68: {  	[tilespmem:s28+$0xFFFFFFA0] =	vst v16;
	v28 =	vadd.s32 s7, v3;
	v22 =	vld.idx.msk [tilespmem:v22+s4+$0x0], $0xffff;
	v21 =	vsel vm4, v11, v21  }
0x69: {  	v16 =	vadd.s32 s23, v5;
	v23 =	vsel vm5, v10, v23;
	[tilespmem:s28+$0x1B0] =	vst v21;
	v21 =	vld.idx.msk [tilespmem:v25+s4+$0x0], $0xffff  }
0x6a: {  	v25 =	vadd.s32 s14, v5;
	[tilespmem:s28+$0xFFFFFEA0] =	vst v23;
	v19 =	vld.idx.msk [tilespmem:v19+s4+$0x0], $0xffff;
	v17 =	vsel vm5, v10, v17  }
0x6b: {  	s13 =	simm.s32 $0x480;
	v23 =	vld.idx.msk [tilespmem:v26+s4+$0x0], $0xffff;
	[tilespmem:s28+$0xFFFFFE20] =	vst v17;
	v26 =	vsel vm5, v10, v27;
	v27 =	vadd.s32 s30, v2  }
0x6c: {  	v17 =	vsel vm3, v12, v24;
	v18 =	vld.idx.msk [tilespmem:v18+s4+$0x0], $0xffff;
	[tilespmem:s28+$0x20] =	vst v26;
	v26 =	vadd.s32 s13, v0  }
0x6d: {  	s3 =	simm.s32 $0x600;
	v24 =	vadd.s32 s29, v4;
	[tilespmem:s28+$0xC0] =	vst v17;
	v17 =	vsel vm3, v12, v22;
	v28 =	vld.idx.msk [tilespmem:v28+s4+$0x0], $0xffff  }
0x6e: {  	s31 =	simm.s32 $0x400;
	v30 =	vadd.s32 s3, v0;
	v20 =	vsel vm6, v9, v20;
	v16 =	vld.idx.msk [tilespmem:v16+s4+$0x0], $0xffff;
	[tilespmem:s28+$0x140] =	vst v17  }
0x6f: {  	[tilespmem:s28+$0xFFFFFF10] =	vst v20;
	v17 =	vadd.s32 s31, v0;
	v25 =	vld.idx.msk [tilespmem:v25+s4+$0x0], $0xffff  }
0x70: {  	v22 =	vadd.s32 s26, v5;
	v21 =	vsel vm4, v11, v21;
	v27 =	vld.idx.msk [tilespmem:v27+s4+$0x0], $0xffff  }
0x71: {  	v32 =	vadd.s32 s6, v4;
	[tilespmem:s28+$0xFFFFFFB0] =	vst v21;
	v19 =	vsel vm3, v12, v19;
	v26 =	vld.idx.msk [tilespmem:v26+s4+$0x0], $0xffff  }
0x72: {  	s0 =	simm.s32 $0x500;
	v21 =	vadd.s32 s14, v6;
	[tilespmem:s28+$0x1C0] =	vst v19;
	v19 =	vld.idx.msk [tilespmem:v24+s4+$0x0], $0xffff;
	v18 =	vsel vm4, v11, v18  }
0x73: {  	s1 =	simm.s32 $0x680;
	v24 =	vadd.s32 s0, v0;
	[tilespmem:s28+$0xFFFFFE30] =	vst v18;
	v18 =	vld.idx.msk [tilespmem:v30+s4+$0x0], $0xffff  }
0x74: {  	s15 =	simm.s32 $0x780;
	v17 =	vld.idx.msk [tilespmem:v17+s4+$0x0], $0xffff;
	v20 =	vsel vm2, v13, v25;
	v25 =	vadd.s32 s1, v0  }
0x75: {  	v22 =	vld.idx.msk [tilespmem:v22+s4+$0x0], $0xffff;
	v16 =	vsel vm2, v13, v16;
	[tilespmem:s28+$0x150] =	vst v20;
	v20 =	vadd.s32 s15, v0  }
0x76: {  	v31 =	vadd.s32 s31, v1;
	v32 =	vld.idx.msk [tilespmem:v32+s4+$0x0], $0xffff;
	[tilespmem:s28+$0xD0] =	vst v16;
	v26 =	vsel vm7, v8, v26  }
0x77: {  	v30 =	vadd.s32 s26, v6;
	v21 =	vld.idx.msk [tilespmem:v21+s4+$0x0], $0xffff;
	v19 =	vsel vm3, v12, v19;
	[tilespmem:s5+$0xFFFFFE80] =	vst v26  }
0x78: {  	v24 =	vld.idx.msk [tilespmem:v24+s4+$0x0], $0xffff;
	v26 =	vadd.s32 s2, v1;
	[tilespmem:s28+$0xFFFFFFC0] =	vst v19;
	v18 =	vsel vm7, v8, v18  }
0x79: {  	v19 =	vadd.s32 s16, v1;
	v16 =	vsel vm7, v8, v17;
	[tilespmem:s5+$0x0] =	vst v18;
	v17 =	vld.idx.msk [tilespmem:v25+s4+$0x0], $0xffff  }
0x7a: {  	v18 =	vsel vm7, v8, v29;
	v29 =	vadd.s32 s23, v6;
	[tilespmem:s5+$0xFFFFFE00] =	vst v16;
	v16 =	vsel vm2, v13, v22;
	v20 =	vld.idx.msk [tilespmem:v20+s4+$0x0], $0xffff  }
0x7b: {  	v23 =	vsel vm4, v11, v23;
	v22 =	vadd.s32 s11, v4;
	[tilespmem:s28+$0x1D0] =	vst v16;
	v16 =	vld.idx.msk [tilespmem:v31+s4+$0x0], $0xffff  }
0x7c: {  	[tilespmem:s28+$0xFFFFFEB0] =	vst v23;
	v25 =	vadd.s32 s13, v1;
	v23 =	vld.idx.msk [tilespmem:v30+s4+$0x0], $0xffff  }
0x7d: {  	v28 =	vsel vm4, v11, v28;
	[tilespmem:s5+$0x100] =	vst v18;
	v18 =	vadd.s32 s7, v4;
	v26 =	vld.idx.msk [tilespmem:v26+s4+$0x0], $0xffff  }
0x7e: {  	[tilespmem:s28+$0x30] =	vst v28;
	v27 =	vsel vm5, v10, v27;
	v31 =	vadd.s32 s30, v3;
	v19 =	vld.idx.msk [tilespmem:v19+s4+$0x0], $0xffff  }
0x7f: {  	[tilespmem:s28+$0xFFFFFF20] =	vst v27;
	v27 =	vadd.s32 s1, v1;
	v21 =	vsel vm1, v14, v21;
	v29 =	vld.idx.msk [tilespmem:v29+s4+$0x0], $0xffff  }
0x80: {  	v30 =	vadd.s32 s14, v7;
	v24 =	vsel vm7, v8, v24;
	[tilespmem:s28+$0x160] =	vst v21;
	v22 =	vld.idx.msk [tilespmem:v22+s4+$0x0], $0xffff  }
0x81: {  	v56 =	vadd.s32 s15, v1;
	[tilespmem:s5+$0xFFFFFF00] =	vst v24;
	v25 =	vld.idx.msk [tilespmem:v25+s4+$0x0], $0xffff;
	v17 =	vsel vm7, v8, v17  }
0x82: {  	v28 =	vadd.s32 s16, v2;
	v18 =	vld.idx.msk [tilespmem:v18+s4+$0x0], $0xffff;
	[tilespmem:s5+$0x80] =	vst v17;
	v20 =	vsel vm7, v8, v20  }
0x83: {  	v17 =	vld.idx.msk [tilespmem:v31+s4+$0x0], $0xffff;
	v31 =	vadd.s32 s0, v1;
	v16 =	vsel vm6, v9, v16;
	[tilespmem:s5+$0x180] =	vst v20  }
0x84: {  	v34 =	vadd.s32 s13, v2;
	v27 =	vld.idx.msk [tilespmem:v27+s4+$0x0], $0xffff;
	v23 =	vsel vm1, v14, v23;
	[tilespmem:s5+$0xFFFFFE10] =	vst v16  }
0x85: {  	v57 =	vadd.s32 s30, v4;
	v21 =	vld.idx.msk [tilespmem:v30+s4+$0x0], $0xffff;
	[tilespmem:s28+$0x1E0] =	vst v23;
	v19 =	vsel vm6, v9, v19  }
0x86: {  	v30 =	vadd.s32 s1, v2;
	v20 =	vld.idx.msk [tilespmem:v56+s4+$0x0], $0xffff;
	v26 =	vsel vm6, v9, v26;
	[tilespmem:s5+$0x110] =	vst v19  }
0x87: {  	v23 =	vadd.s32 s11, v5;
	[tilespmem:s5+$0xFFFFFF90] =	vst v26;
	v25 =	vsel vm6, v9, v25;
	v28 =	vld.idx.msk [tilespmem:v28+s4+$0x0], $0xffff  }
0x88: {  	v24 =	vadd.s32 s15, v2;
	[tilespmem:s5+$0xFFFFFE90] =	vst v25;
	v25 =	vld.idx.msk [tilespmem:v31+s4+$0x0], $0xffff;
	v17 =	vsel vm4, v11, v17  }
0x89: {  	v31 =	vld.idx.msk [tilespmem:v34+s4+$0x0], $0xffff;
	v27 =	vsel vm6, v9, v27;
	[tilespmem:s28+$0xFFFFFF30] =	vst v17;
	v17 =	vadd.s32 s3, v1  }
0x8a: {  	v59 =	vadd.s32 s16, v3;
	v19 =	vsel vm3, v12, v22;
	[tilespmem:s5+$0x90] =	vst v27;
	v22 =	vld.idx.msk [tilespmem:v57+s4+$0x0], $0xffff  }
0x8b: {  	[tilespmem:s28+$0xFFFFFEC0] =	vst v19;
	v20 =	vsel vm6, v9, v20;
	v27 =	vadd.s32 s2, v2;
	v30 =	vld.idx.msk [tilespmem:v30+s4+$0x0], $0xffff  }
0x8c: {  	v18 =	vsel vm3, v12, v18;
	v23 =	vld.idx.msk [tilespmem:v23+s4+$0x0], $0xffff;
	[tilespmem:s5+$0x190] =	vst v20;
	v20 =	vadd.s32 s13, v3  }
0x8d: {  	v58 =	vadd.s32 s1, v3;
	[tilespmem:s28+$0x40] =	vst v18;
	v24 =	vld.idx.msk [tilespmem:v24+s4+$0x0], $0xffff;
	v28 =	vsel vm5, v10, v28  }
0x8e: {  	[tilespmem:s5+$0x120] =	vst v28;
	v28 =	vadd.s32 s7, v5;
	v19 =	vsel vm5, v10, v31;
	v17 =	vld.idx.msk [tilespmem:v17+s4+$0x0], $0xffff  }
0x8f: {  	v26 =	vadd.s32 s15, v3;
	v31 =	vsel vm3, v12, v32;
	v16 =	vld.idx.msk [tilespmem:v59+s4+$0x0], $0xffff;
	[tilespmem:s5+$0xFFFFFEA0] =	vst v19  }
0x90: {  	v19 =	vld.idx.msk [tilespmem:v27+s4+$0x0], $0xffff;
	v27 =	vadd.s32 s30, v5;
	[tilespmem:s28+$0xFFFFFE40] =	vst v31;
	v30 =	vsel vm5, v10, v30  }
0x91: {  	v31 =	vadd.s32 s31, v2;
	v22 =	vsel vm3, v12, v22;
	v20 =	vld.idx.msk [tilespmem:v20+s4+$0x0], $0xffff;
	[tilespmem:s5+$0xA0] =	vst v30  }
0x92: {  	[tilespmem:s28+$0xFFFFFF40] =	vst v22;
	v22 =	vadd.s32 s23, v7;
	v24 =	vsel vm5, v10, v24;
	v30 =	vld.idx.msk [tilespmem:v58+s4+$0x0], $0xffff  }
0x93: {  	v60 =	vadd.s32 s3, v2;
	[tilespmem:s5+$0x1A0] =	vst v24;
	v28 =	vld.idx.msk [tilespmem:v28+s4+$0x0], $0xffff  }
0x94: {  	v23 =	vsel vm2, v13, v23;
	v24 =	vadd.s32 s6, v5;
	v26 =	vld.idx.msk [tilespmem:v26+s4+$0x0], $0xffff  }
0x95: {  	v61 =	vadd.s32 s1, v4;
	[tilespmem:s28+$0xFFFFFED0] =	vst v23;
	v23 =	vsel vm1, v14, v29;
	v27 =	vld.idx.msk [tilespmem:v27+s4+$0x0], $0xffff  }
0x96: {  	v29 =	vadd.s32 s15, v4;
	[tilespmem:s28+$0xE0] =	vst v23;
	v17 =	vsel vm6, v9, v17;
	v31 =	vld.idx.msk [tilespmem:v31+s4+$0x0], $0xffff  }
0x97: {  	v23 =	vadd.s32 s2, v3;
	v16 =	vsel vm4, v11, v16;
	[tilespmem:s5+$0x10] =	vst v17;
	v18 =	vld.idx.msk [tilespmem:v22+s4+$0x0], $0xffff  }
0x98: {  	[tilespmem:s5+$0x130] =	vst v16;
	v22 =	vadd.s32 s16, v4;
	v33 =	vld.idx.msk [tilespmem:v60+s4+$0x0], $0xffff;
	v17 =	vsel vm4, v11, v30  }
0x99: {  	v24 =	vld.idx.msk [tilespmem:v24+s4+$0x0], $0xffff;
	v30 =	vadd.s32 s31, v3;
	v26 =	vsel vm4, v11, v26;
	[tilespmem:s5+$0xB0] =	vst v17  }
0x9a: {  	v17 =	vsel vm5, v10, v19;
	v19 =	vld.idx.msk [tilespmem:v61+s4+$0x0], $0xffff;
	[tilespmem:s5+$0x1B0] =	vst v26;
	v26 =	vadd.s32 s11, v6  }
0x9b: {  	v28 =	vsel vm2, v13, v28;
	[tilespmem:s5+$0xFFFFFFA0] =	vst v17;
	v35 =	vld.idx.msk [tilespmem:v29+s4+$0x0], $0xffff;
	v29 =	vadd.s32 s6, v6  }
0x9c: {  	[tilespmem:s28+$0x50] =	vst v28;
	v17 =	vsel vm5, v10, v31;
	v31 =	vld.idx.msk [tilespmem:v23+s4+$0x0], $0xffff;
	v23 =	vadd.s32 s29, v5  }
0x9d: {  	v27 =	vsel vm2, v13, v27;
	[tilespmem:s5+$0xFFFFFE20] =	vst v17;
	v22 =	vld.idx.msk [tilespmem:v22+s4+$0x0], $0xffff;
	v16 =	vsel vm0, v15, v18;
	v18 =	vadd.s32 s26, v7  }
0x9e: {  	v62 =	vadd.s32 s1, v5;
	[tilespmem:s28+$0xFFFFFF50] =	vst v27;
	v30 =	vld.idx.msk [tilespmem:v30+s4+$0x0], $0xffff;
	v17 =	vsel vm2, v13, v24  }
0x9f: {  	v39 =	vadd.s32 s3, v3;
	[tilespmem:s28+$0xFFFFFE50] =	vst v17;
	v24 =	vld.idx.msk [tilespmem:v26+s4+$0x0], $0xffff  }
0xa0: {  	[tilespmem:s28+$0xF0] =	vst v16;
	v16 =	vsel vm5, v10, v33;
	v26 =	vadd.s32 s7, v6;
	v36 =	vld.idx.msk [tilespmem:v29+s4+$0x0], $0xffff  }
0xa1: {  	v37 =	vadd.s32 s16, v5;
	[tilespmem:s5+$0x20] =	vst v16;
	v63 =	vsel vm3, v12, v19;
	v29 =	vadd.s32 s30, v6;
	v38 =	vld.idx.msk [tilespmem:v23+s4+$0x0], $0xffff  }
0xa2: {  	v34 =	vadd.s32 s29, v6;
	v28 =	vsel vm0, v15, v21;
	[tilespmem:s5+$0xC0] =	vst v63;
	v27 =	vld.idx.msk [tilespmem:v18+s4+$0x0], $0xffff;
	v22 =	vsel vm3, v12, v22  }
0xa3: {  	v21 =	vadd.s32 s2, v4;
	v23 =	vsel vm6, v9, v25;
	v25 =	vld.idx.msk [tilespmem:v62+s4+$0x0], $0xffff;
	[tilespmem:s5+$0x140] =	vst v22;
	v22 =	vsel vm4, v11, v30  }
0xa4: {  	v16 =	vadd.s32 s13, v7;
	v17 =	vadd.s32 s11, v7;
	v31 =	vsel vm4, v11, v31;
	[tilespmem:s5+$0xFFFFFE30] =	vst v22;
	v22 =	vld.idx.msk [tilespmem:v39+s4+$0x0], $0xffff  }
0xa5: {  	v19 =	vadd.s32 s0, v2;
	v18 =	vadd.s32 s0, v3;
	[tilespmem:s5+$0xFFFFFFB0] =	vst v31;
	v31 =	vadd.s32 s6, v7;
	v33 =	vld.idx.msk [tilespmem:v26+s4+$0x0], $0xffff  }
0xa6: {  	v30 =	vsel vm1, v14, v24;
	v24 =	vsel vm3, v12, v35;
	v32 =	vld.idx.msk [tilespmem:v29+s4+$0x0], $0xffff;
	v29 =	vadd.s32 s15, v5  }
0xa7: {  	s26 =	sshll.u32 s25, $0xC;
	s11 =	simm.s32 $0x10;
	s6 =	simm.s32 $0x8600;
	v26 =	vld.idx.msk [tilespmem:v37+s4+$0x0], $0xffff;
	v35 =	vsel vm1, v14, v36;
	[tilespmem:s5+$0x1C0] =	vst v24;
	v36 =	vsel vm2, v13, v38;
	v24 =	vadd.s32 s7, v7  }
.LBB2_3:
0xa8: {  	s7 =	sshll.u32 s11, $0x7  }
0xa9: {  	p1 =	slt.u32 s11, $0x78;
	s11 =	sadd.s32 $0x8, s11;
	v37 =	vld.idx.msk [tilespmem:v21+s4+$0x0], $0xffff;
	[tilespmem:s28+$0xFFFFFFD0] =	vst v36;
	v38 =	vadd.s32 s30, v7;
	s30 =	smov.u32 s0  }
0xaa: {  	v27 =	vsel vm0, v15, v27;
	v20 =	vsel vm4, v11, v20;
	v36 =	vadd.s32 s7, v0;
	s24 =	sadd.s32 $0x80, s7;
	s19 =	sadd.s32 $0x300, s7;
	s14 =	sadd.s32 $0x380, s7;
	v34 =	vld.idx.msk [tilespmem:v34+s4+$0x0], $0xffff;
	[tilespmem:s28+$0x170] =	vst v28  }
0xab: {  	s23 =	sadd.s32 $0x200, s7;
	v33 =	vsel vm1, v14, v33;
	s0 =	sadd.s32 $0x100, s7;
	s9 =	sadd.s32 $0x180, s7;
	v28 =	vadd.s32 s24, v0;
	v21 =	vadd.s32 s19, v3;
	v29 =	vld.idx.msk [tilespmem:v29+s4+$0x0], $0xffff;
	[tilespmem:s28+$0xFFFFFE60] =	vst v35  }
0xac: {  	v35 =	vadd.s32 s0, v0;
	v32 =	vsel vm1, v14, v32;
	v39 =	vadd.s32 s9, v0;
	v31 =	vld.idx.msk [tilespmem:v31+s4+$0x0], $0xffff;
	[tilespmem:s28+$0x60] =	vst v33  }
0xad: {  	v33 =	vadd.s32 s24, v7;
	[tilespmem:s28+$0xFFFFFEE0] =	vst v30;
	v30 =	vadd.s32 s29, v7;
	v24 =	vld.idx.msk [tilespmem:v24+s4+$0x0], $0xffff;
	s29 =	smov.u32 s2;
	s2 =	smov.u32 s9  }
0xae: {  	v40 =	vadd.s32 s23, v0;
	s9 =	sadd.s32 $0x280, s7;
	v41 =	vld.idx.msk [tilespmem:v17+s4+$0x0], $0xffff;
	[tilespmem:s28+$0xFFFFFF60] =	vst v32;
	v17 =	vmov v16;
	v16 =	vmov v33  }
0xaf: {  	v25 =	vsel vm2, v13, v25;
	v32 =	vadd.s32 s9, v0;
	v33 =	vadd.s32 s16, v6;
	v38 =	vld.idx.msk [tilespmem:v38+s4+$0x0], $0xffff;
	[tilespmem:s28+$0x1F0] =	vst v27  }
0xb0: {  	v27 =	vld.idx.msk [tilespmem:v36+s4+$0x0], $0xffff;
	v36 =	vadd.s32 s19, v0;
	[tilespmem:s5+$0xD0] =	vst v25;
	v25 =	vsel vm1, v14, v34  }
0xb1: {  	v34 =	vld.idx.msk [tilespmem:v28+s4+$0x0], $0xffff;
	v28 =	vadd.s32 s14, v0;
	[tilespmem:s28+$0xFFFFFFE0] =	vst v25  }
0xb2: {  	[tilespmem:s5+$0xFFFFFF10] =	vst v23;
	v23 =	vsel vm2, v13, v26;
	v25 =	vld.idx.msk [tilespmem:v30+s4+$0x0], $0xffff  }
0xb3: {  	v26 =	vadd.s32 s7, v1;
	v19 =	vld.idx.msk [tilespmem:v19+s4+$0x0], $0xffff;
	[tilespmem:s5+$0x150] =	vst v23;
	v23 =	vsel vm0, v15, v24  }
0xb4: {  	v31 =	vsel vm0, v15, v31;
	v24 =	vadd.s32 s0, v1;
	v30 =	vld.idx.msk [tilespmem:v33+s4+$0x0], $0xffff;
	v33 =	vsel vm0, v15, v41;
	[tilespmem:s28+$0x70] =	vst v23  }
0xb5: {  	s5 =	sadd.s32 $0x400, s5;
	v41 =	vadd.s32 s2, v1;
	v35 =	vld.idx.msk [tilespmem:v35+s4+$0x0], $0xffff;
	[tilespmem:s28+$0xFFFFFEF0] =	vst v33  }
0xb6: {  	v23 =	vadd.s32 s23, v1;
	v27 =	vsel vm7, v8, v27;
	v33 =	vld.idx.msk [tilespmem:v39+s4+$0x0], $0xffff;
	v39 =	vadd.s32 s31, v4;
	[tilespmem:s28+$0xFFFFFE70] =	vst v31  }
0xb7: {  	v42 =	vadd.s32 s15, v6;
	[tilespmem:s5+$0xFFFFFE00] =	vst v27;
	v31 =	vld.idx.msk [tilespmem:v40+s4+$0x0], $0xffff;
	v40 =	vadd.s32 s9, v1;
	v27 =	vsel vm2, v13, v29  }
0xb8: {  	v43 =	vadd.s32 s19, v1;
	v25 =	vsel vm0, v15, v25;
	v32 =	vld.idx.msk [tilespmem:v32+s4+$0x0], $0xffff;
	[tilespmem:s6+$0x1D0] =	vst v27  }
0xb9: {  	v46 =	vadd.s32 s13, v4;
	v45 =	vadd.s32 s14, v1;
	v27 =	vsel vm0, v15, v38;
	v44 =	vld.idx.msk [tilespmem:v28+s4+$0x0], $0xffff;
	[tilespmem:s28+$0xFFFFFFF0] =	vst v25  }
0xba: {  	v19 =	vsel vm5, v10, v19;
	v25 =	vadd.s32 s24, v1;
	v29 =	vld.idx.msk [tilespmem:v26+s4+$0x0], $0xffff;
	[tilespmem:s28+$0xFFFFFF70] =	vst v27;
	s28 =	smov.u32 s6;
	s6 =	smov.u32 s5  }
0xbb: {  	v28 =	vadd.s32 s7, v2;
	v38 =	vld.idx.msk [tilespmem:v39+s4+$0x0], $0xffff;
	[tilespmem:s28+$0xFFFFFF20] =	vst v19  }
0xbc: {  	v19 =	vadd.s32 s0, v2;
	v26 =	vsel vm7, v8, v33;
	[tilespmem:s28+$0xFFFFFEB0] =	vst v20;
	v20 =	vld.idx.msk [tilespmem:v42+s4+$0x0], $0xffff  }
0xbd: {  	v27 =	vsel vm7, v8, v34;
	v33 =	vadd.s32 s2, v2;
	[tilespmem:s5+$0xFFFFFF80] =	vst v26;
	v34 =	vld.idx.msk [tilespmem:v36+s4+$0x0], $0xffff;
	v26 =	vadd.s32 s16, v7;
	s16 =	smov.u32 s19  }
0xbe: {  	v37 =	vsel vm3, v12, v37;
	[tilespmem:s5+$0xFFFFFE80] =	vst v27;
	v27 =	vadd.s32 s23, v2;
	v36 =	vld.idx.msk [tilespmem:v46+s4+$0x0], $0xffff  }
0xbf: {  	v39 =	vld.idx.msk [tilespmem:v25+s4+$0x0], $0xffff;
	v25 =	vsel vm7, v8, v32;
	v32 =	vadd.s32 s9, v2;
	[tilespmem:s28+$0xFFFFFFC0] =	vst v37  }
0xc0: {  	v37 =	vadd.s32 s16, v2;
	[tilespmem:s5+$0x80] =	vst v25;
	v42 =	vld.idx.msk [tilespmem:v18+s4+$0x0], $0xffff;
	v18 =	vsel vm1, v14, v30  }
0xc1: {  	v25 =	vsel vm7, v8, v44;
	v30 =	vld.idx.msk [tilespmem:v40+s4+$0x0], $0xffff;
	v40 =	vadd.s32 s14, v2;
	[tilespmem:s28+$0x160] =	vst v18  }
0xc2: {  	v44 =	vadd.s32 s24, v2;
	v18 =	vsel vm7, v8, v31;
	[tilespmem:s5+$0x180] =	vst v25;
	v25 =	vld.idx.msk [tilespmem:v26+s4+$0x0], $0xffff  }
0xc3: {  	v26 =	vadd.s32 s7, v3;
	v31 =	vsel vm7, v8, v34;
	[tilespmem:s5+$0x0] =	vst v18;
	v34 =	vld.idx.msk [tilespmem:v45+s4+$0x0], $0xffff;
	v45 =	vadd.s32 s1, v6  }
0xc4: {  	v35 =	vsel vm7, v8, v35;
	v18 =	vadd.s32 s0, v3;
	v41 =	vld.idx.msk [tilespmem:v41+s4+$0x0], $0xffff;
	[tilespmem:s5+$0x100] =	vst v31;
	v31 =	vadd.s32 s3, v4  }
0xc5: {  	v39 =	vsel vm6, v9, v39;
	[tilespmem:s5+$0xFFFFFF00] =	vst v35;
	v35 =	vadd.s32 s2, v3;
	v43 =	vld.idx.msk [tilespmem:v43+s4+$0x0], $0xffff  }
0xc6: {  	v22 =	vsel vm4, v11, v22;
	[tilespmem:s5+$0xFFFFFE90] =	vst v39;
	v39 =	vld.idx.msk [tilespmem:v24+s4+$0x0], $0xffff;
	v24 =	vadd.s32 s23, v3  }
0xc7: {  	v47 =	vadd.s32 s30, v4;
	v46 =	vadd.s32 s9, v3;
	v20 =	vsel vm1, v14, v20;
	v44 =	vld.idx.msk [tilespmem:v44+s4+$0x0], $0xffff;
	[tilespmem:s28+$0x30] =	vst v22  }
0xc8: {  	v22 =	vsel vm6, v9, v30;
	v30 =	vld.idx.msk [tilespmem:v45+s4+$0x0], $0xffff;
	[tilespmem:s28+$0x1E0] =	vst v20  }
0xc9: {  	v20 =	vsel vm6, v9, v34;
	[tilespmem:s5+$0x90] =	vst v22;
	v22 =	vadd.s32 s13, v5;
	v31 =	vld.idx.msk [tilespmem:v31+s4+$0x0], $0xffff  }
0xca: {  	v34 =	vadd.s32 s24, v3;
	v32 =	vld.idx.msk [tilespmem:v32+s4+$0x0], $0xffff;
	[tilespmem:s5+$0x190] =	vst v20;
	v20 =	vsel vm4, v11, v42  }
0xcb: {  	v42 =	vsel vm6, v9, v43;
	v40 =	vld.idx.msk [tilespmem:v40+s4+$0x0], $0xffff;
	[tilespmem:s28+$0xFFFFFF30] =	vst v20  }
0xcc: {  	v20 =	vsel vm3, v12, v36;
	[tilespmem:s5+$0x110] =	vst v42;
	v36 =	vld.idx.msk [tilespmem:v47+s4+$0x0], $0xffff  }
0xcd: {  	v41 =	vsel vm6, v9, v41;
	v42 =	vsel vm5, v10, v44;
	v37 =	vld.idx.msk [tilespmem:v37+s4+$0x0], $0xffff;
	[tilespmem:s28+$0xFFFFFEC0] =	vst v20  }
0xce: {  	v38 =	vsel vm3, v12, v38;
	[tilespmem:s5+$0xFFFFFF90] =	vst v41;
	v41 =	vadd.s32 s14, v3;
	v22 =	vld.idx.msk [tilespmem:v22+s4+$0x0], $0xffff  }
0xcf: {  	[tilespmem:s5+$0xFFFFFEA0] =	vst v42;
	v33 =	vld.idx.msk [tilespmem:v33+s4+$0x0], $0xffff;
	v42 =	vadd.s32 s30, v5  }
0xd0: {  	v32 =	vsel vm5, v10, v32;
	v20 =	vld.idx.msk [tilespmem:v34+s4+$0x0], $0xffff;
	[tilespmem:s28+$0xFFFFFE40] =	vst v38  }
0xd1: {  	v34 =	vld.idx.msk [tilespmem:v23+s4+$0x0], $0xffff;
	[tilespmem:s5+$0xA0] =	vst v32;
	v23 =	vsel vm5, v10, v40  }
0xd2: {  	v38 =	vadd.s32 s31, v5;
	v32 =	vld.idx.msk [tilespmem:v46+s4+$0x0], $0xffff;
	[tilespmem:s5+$0x1A0] =	vst v23;
	v23 =	vsel vm3, v12, v36  }
0xd3: {  	v40 =	vadd.s32 s1, v7;
	s1 =	smov.u32 s9;
	v36 =	vsel vm5, v10, v37;
	v37 =	vld.idx.msk [tilespmem:v41+s4+$0x0], $0xffff;
	[tilespmem:s28+$0xFFFFFF40] =	vst v23  }
0xd4: {  	v23 =	vsel vm6, v9, v29;
	[tilespmem:s5+$0x120] =	vst v36;
	v29 =	vld.idx.msk [tilespmem:v42+s4+$0x0], $0xffff;
	v36 =	vadd.s32 s3, v5  }
0xd5: {  	v22 =	vsel vm2, v13, v22;
	[tilespmem:s5+$0xFFFFFE10] =	vst v23;
	v21 =	vld.idx.msk [tilespmem:v21+s4+$0x0], $0xffff  }
0xd6: {  	v41 =	vadd.s32 s1, v4;
	v28 =	vld.idx.msk [tilespmem:v28+s4+$0x0], $0xffff;
	[tilespmem:s28+$0xFFFFFED0] =	vst v22;
	v22 =	vsel vm1, v14, v30  }
0xd7: {  	v31 =	vsel vm3, v12, v31;
	v23 =	vsel vm6, v9, v39;
	v30 =	vadd.s32 s14, v4;
	v38 =	vld.idx.msk [tilespmem:v38+s4+$0x0], $0xffff;
	[tilespmem:s28+$0xE0] =	vst v22  }
0xd8: {  	v22 =	vsel vm6, v9, v34;
	[tilespmem:s28+$0x40] =	vst v31;
	v31 =	vld.idx.msk [tilespmem:v40+s4+$0x0], $0xffff  }
0xd9: {  	v34 =	vsel vm4, v11, v37;
	[tilespmem:s5+$0x10] =	vst v22;
	v22 =	vsel vm4, v11, v32;
	v32 =	vadd.s32 s16, v4;
	v36 =	vld.idx.msk [tilespmem:v36+s4+$0x0], $0xffff  }
0xda: {  	v27 =	vld.idx.msk [tilespmem:v27+s4+$0x0], $0xffff;
	[tilespmem:s5+$0xB0] =	vst v22  }
0xdb: {  	v22 =	vsel vm5, v10, v33;
	v21 =	vsel vm4, v11, v21;
	v33 =	vld.idx.msk [tilespmem:v41+s4+$0x0], $0xffff;
	[tilespmem:s5+$0x1B0] =	vst v34;
	v34 =	vadd.s32 s13, v6;
	s13 =	smov.u32 s24  }
0xdc: {  	[tilespmem:s5+$0xFFFFFFA0] =	vst v22;
	v22 =	vld.idx.msk [tilespmem:v30+s4+$0x0], $0xffff;
	v30 =	vadd.s32 s31, v6  }
0xdd: {  	v28 =	vsel vm5, v10, v28;
	v35 =	vld.idx.msk [tilespmem:v35+s4+$0x0], $0xffff;
	[tilespmem:s5+$0x130] =	vst v21;
	v21 =	vadd.s32 s29, v5  }
0xde: {  	[tilespmem:s5+$0xFFFFFE20] =	vst v28;
	v32 =	vld.idx.msk [tilespmem:v32+s4+$0x0], $0xffff;
	v28 =	vsel vm0, v15, v31;
	v31 =	vadd.s32 s15, v7;
	s15 =	smov.u32 s14  }
0xdf: {  	v37 =	vadd.s32 s1, v5;
	v38 =	vsel vm2, v13, v38;
	v26 =	vld.idx.msk [tilespmem:v26+s4+$0x0], $0xffff;
	[tilespmem:s28+$0xF0] =	vst v28  }
0xe0: {  	v39 =	vadd.s32 s3, v6;
	v27 =	vsel vm5, v10, v27;
	[tilespmem:s28+$0xFFFFFE50] =	vst v38;
	v38 =	vld.idx.msk [tilespmem:v34+s4+$0x0], $0xffff  }
0xe1: {  	v41 =	vadd.s32 s30, v6;
	v28 =	vsel vm0, v15, v25;
	[tilespmem:s5+$0x20] =	vst v27;
	v40 =	vld.idx.msk [tilespmem:v30+s4+$0x0], $0xffff;
	v27 =	vsel vm2, v13, v29  }
0xe2: {  	v42 =	vadd.s32 s16, v5;
	v25 =	vsel vm3, v12, v33;
	[tilespmem:s28+$0xFFFFFF50] =	vst v27;
	v43 =	vld.idx.msk [tilespmem:v21+s4+$0x0], $0xffff  }
0xe3: {  	v29 =	vsel vm2, v13, v36;
	[tilespmem:s5+$0xC0] =	vst v25;
	v27 =	vld.idx.msk [tilespmem:v31+s4+$0x0], $0xffff  }
.Ltmp2:
0xe4: {  	v21 =	vadd.s32 s2, v4;
	v30 =	vsel vm3, v12, v32;
	v25 =	vld.idx.msk [tilespmem:v37+s4+$0x0], $0xffff;
	[tilespmem:s28+$0x50] =	vst v29;
	(pc) =	sbr.rel @p1 .LBB2_3-.Ltmp2, $4  }
0xe5: {  	v34 =	vadd.s32 s29, v6;
	v29 =	vsel vm4, v11, v35;
	[tilespmem:s5+$0x140] =	vst v30;
	v33 =	vld.idx.msk [tilespmem:v39+s4+$0x0], $0xffff  }
0xe6: {  	v26 =	vsel vm4, v11, v26;
	v30 =	vsel vm1, v14, v38;
	[tilespmem:s5+$0xFFFFFFB0] =	vst v29;
	v29 =	vadd.s32 s15, v5;
	v32 =	vld.idx.msk [tilespmem:v41+s4+$0x0], $0xffff  }
0xe7: {  	v36 =	vsel vm3, v12, v22;
	v31 =	vadd.s32 s31, v7;
	s31 =	smov.u32 s7;
	v35 =	vsel vm1, v14, v40;
	[tilespmem:s5+$0xFFFFFE30] =	vst v26;
	v26 =	vld.idx.msk [tilespmem:v42+s4+$0x0], $0xffff  }
0xe8: {  	v22 =	vld.idx.msk [tilespmem:v24+s4+$0x0], $0xffff;
	[tilespmem:s5+$0x1C0] =	vst v36;
	v36 =	vsel vm2, v13, v43;
	v24 =	vadd.s32 s3, v7;
	s3 =	smov.u32 s23  }
0xe9: {  	[tilespmem:s28+$0xFFFFFFD0] =	vst v36  }
0xea: {  	[tilespmem:s28+$0x170] =	vst v28  }
0xeb: {  	[tilespmem:s28+$0xFFFFFE60] =	vst v35  }
0xec: {  	[tilespmem:s5+$0xFFFFFF10] =	vst v23  }
0xed: {  	[tilespmem:s28+$0xFFFFFEE0] =	vst v30;
	v27 =	vsel vm0, v15, v27  }
0xee: {  	v47 =	vsel vm2, v13, v25;
	v19 =	vld.idx.msk [tilespmem:v19+s4+$0x0], $0xffff;
	[tilespmem:s28+$0x1F0] =	vst v27  }
0xef: {  	v54 =	vld.idx.msk [tilespmem:v29+s4+$0x0], $0xffff;
	v55 =	vadd.s32 s13, v4;
	v20 =	vsel vm4, v11, v20;
	[tilespmem:s5+$0xD0] =	vst v47  }
0xf0: {  	v21 =	vld.idx.msk [tilespmem:v21+s4+$0x0], $0xffff;
	v44 =	vsel vm1, v14, v33;
	[tilespmem:s6+$0xFFFFFEB0] =	vst v20  }
0xf1: {  	v17 =	vld.idx.msk [tilespmem:v17+s4+$0x0], $0xffff;
	[tilespmem:s28+$0x60] =	vst v44;
	v46 =	vsel vm1, v14, v32  }
0xf2: {  	[tilespmem:s28+$0xFFFFFF60] =	vst v46;
	v51 =	vsel vm2, v13, v26  }
0xf3: {  	v50 =	vadd.s32 s30, v7;
	v52 =	vld.idx.msk [tilespmem:v31+s4+$0x0], $0xffff;
	[tilespmem:s5+$0x150] =	vst v51;
	v19 =	vsel vm5, v10, v19  }
0xf4: {  	v53 =	vadd.s32 s3, v4;
	v61 =	vsel vm2, v13, v54;
	v62 =	vld.idx.msk [tilespmem:v55+s4+$0x0], $0xffff;
	[tilespmem:s6+$0xFFFFFF20] =	vst v19  }
0xf5: {  	v56 =	vadd.s32 s31, v4;
	v21 =	vsel vm3, v12, v21;
	[tilespmem:s6+$0x1D0] =	vst v61;
	v18 =	vld.idx.msk [tilespmem:v18+s4+$0x0], $0xffff  }
0xf6: {  	v45 =	vld.idx.msk [tilespmem:v34+s4+$0x0], $0xffff;
	v33 =	vadd.s32 s13, v5;
	v17 =	vsel vm0, v15, v17;
	[tilespmem:s6+$0xFFFFFFC0] =	vst v21  }
0xf7: {  	v59 =	vadd.s32 s0, v4;
	v24 =	vld.idx.msk [tilespmem:v24+s4+$0x0], $0xffff;
	[tilespmem:s28+$0xFFFFFEF0] =	vst v17;
	v17 =	vsel vm4, v11, v22  }
0xf8: {  	v58 =	vld.idx.msk [tilespmem:v50+s4+$0x0], $0xffff;
	v26 =	vsel vm0, v15, v52;
	[tilespmem:s6+$0x30] =	vst v17;
	v17 =	vadd.s32 s16, v6  }
0xf9: {  	v63 =	vadd.s32 s1, v6;
	[tilespmem:s28+$0xFFFFFE70] =	vst v26;
	v60 =	vld.idx.msk [tilespmem:v53+s4+$0x0], $0xffff;
	v26 =	vsel vm3, v12, v62  }
0xfa: {  	v48 =	vadd.s32 s29, v7;
	v19 =	vld.idx.msk [tilespmem:v56+s4+$0x0], $0xffff;
	[tilespmem:s6+$0xFFFFFEC0] =	vst v26;
	v18 =	vsel vm4, v11, v18  }
0xfb: {  	v32 =	vadd.s32 s3, v5;
	v49 =	vsel vm1, v14, v45;
	v26 =	vld.idx.msk [tilespmem:v33+s4+$0x0], $0xffff;
	[tilespmem:s6+$0xFFFFFF30] =	vst v18  }
0xfc: {  	v36 =	vadd.s32 s31, v5;
	[tilespmem:s28+$0xFFFFFFE0] =	vst v49;
	v24 =	vsel vm0, v15, v24;
	v35 =	vld.idx.msk [tilespmem:v59+s4+$0x0], $0xffff  }
0xfd: {  	v38 =	vadd.s32 s2, v5;
	[tilespmem:s28+$0x70] =	vst v24;
	v34 =	vsel vm0, v15, v58;
	v17 =	vld.idx.msk [tilespmem:v17+s4+$0x0], $0xffff  }
0xfe: {  	v40 =	vadd.s32 s0, v5;
	v39 =	vld.idx.msk [tilespmem:v63+s4+$0x0], $0xffff;
	[tilespmem:s28+$0xFFFFFF70] =	vst v34;
	v37 =	vsel vm3, v12, v60  }
0xff: {  	v46 =	vadd.s32 s13, v6;
	v57 =	vld.idx.msk [tilespmem:v48+s4+$0x0], $0xffff;
	v19 =	vsel vm3, v12, v19;
	[tilespmem:s6+$0x40] =	vst v37  }
0x100: {  	v42 =	vadd.s32 s1, v7;
	[tilespmem:s6+$0xFFFFFE40] =	vst v19;
	v23 =	vld.idx.msk [tilespmem:v32+s4+$0x0], $0xffff;
	v26 =	vsel vm2, v13, v26  }
0x101: {  	v41 =	vadd.s32 s15, v6;
	v44 =	vld.idx.msk [tilespmem:v36+s4+$0x0], $0xffff;
	[tilespmem:s6+$0xFFFFFED0] =	vst v26;
	v43 =	vsel vm3, v12, v35  }
0x102: {  	v45 =	vadd.s32 s3, v6;
	v20 =	vld.idx.msk [tilespmem:v38+s4+$0x0], $0xffff;
	v17 =	vsel vm1, v14, v17;
	[tilespmem:s6+$0xFFFFFF40] =	vst v43  }
0x103: {  	v47 =	vadd.s32 s31, v6;
	v25 =	vsel vm1, v14, v39;
	[tilespmem:s6+$0x160] =	vst v17;
	v17 =	vld.idx.msk [tilespmem:v40+s4+$0x0], $0xffff  }
0x104: {  	v48 =	vadd.s32 s2, v6;
	[tilespmem:s6+$0xE0] =	vst v25;
	v24 =	vsel vm0, v15, v57;
	v21 =	vld.idx.msk [tilespmem:v46+s4+$0x0], $0xffff  }
0x105: {  	v49 =	vadd.s32 s0, v6;
	v19 =	vld.idx.msk [tilespmem:v42+s4+$0x0], $0xffff;
	[tilespmem:s28+$0xFFFFFFF0] =	vst v24;
	v23 =	vsel vm2, v13, v23  }
0x106: {  	v18 =	vld.idx.msk [tilespmem:v41+s4+$0x0], $0xffff;
	v22 =	vsel vm2, v13, v44;
	[tilespmem:s6+$0x50] =	vst v23  }
0x107: {  	v50 =	vadd.s32 s16, v7;
	v20 =	vsel vm2, v13, v20;
	[tilespmem:s6+$0xFFFFFE50] =	vst v22;
	v24 =	vld.idx.msk [tilespmem:v45+s4+$0x0], $0xffff  }
0x108: {  	v51 =	vadd.s32 s15, v7;
	[tilespmem:s6+$0xFFFFFFD0] =	vst v20;
	v22 =	vld.idx.msk [tilespmem:v47+s4+$0x0], $0xffff;
	v17 =	vsel vm2, v13, v17  }
0x109: {  	v52 =	vadd.s32 s3, v7;
	v21 =	vsel vm1, v14, v21;
	[tilespmem:s6+$0xFFFFFF50] =	vst v17;
	v17 =	vld.idx.msk [tilespmem:v48+s4+$0x0], $0xffff  }
0x10a: {  	v55 =	vadd.s32 s31, v7;
	v53 =	vsel vm0, v15, v19;
	[tilespmem:s6+$0xFFFFFEE0] =	vst v21;
	v54 =	vld.idx.msk [tilespmem:v49+s4+$0x0], $0xffff  }
0x10b: {  	v57 =	vadd.s32 s2, v7;
	v18 =	vsel vm1, v14, v18;
	[tilespmem:s6+$0xF0] =	vst v53;
	v16 =	vld.idx.msk [tilespmem:v16+s4+$0x0], $0xffff  }
0x10c: {  	v59 =	vadd.s32 s0, v7;
	[tilespmem:s6+$0x1E0] =	vst v18;
	v23 =	vld.idx.msk [tilespmem:v50+s4+$0x0], $0xffff;
	v56 =	vsel vm1, v14, v24  }
0x10d: {  	v58 =	vld.idx.msk [tilespmem:v51+s4+$0x0], $0xffff;
	v60 =	vsel vm1, v14, v22;
	[tilespmem:s6+$0x60] =	vst v56  }
0x10e: {  	[tilespmem:s6+$0xFFFFFE60] =	vst v60;
	v61 =	vld.idx.msk [tilespmem:v52+s4+$0x0], $0xffff;
	v17 =	vsel vm1, v14, v17  }
0x10f: {  	v18 =	vld.idx.msk [tilespmem:v55+s4+$0x0], $0xffff;
	v19 =	vsel vm1, v14, v54;
	[tilespmem:s6+$0xFFFFFFE0] =	vst v17  }
0x110: {  	v16 =	vsel vm0, v15, v16;
	[tilespmem:s6+$0xFFFFFF60] =	vst v19;
	v62 =	vld.idx.msk [tilespmem:v57+s4+$0x0], $0xffff  }
0x111: {  	[tilespmem:s6+$0xFFFFFEF0] =	vst v16;
	v17 =	vsel vm0, v15, v23;
	v63 =	vld.idx.msk [tilespmem:v59+s4+$0x0], $0xffff  }
0x112: {  	[tilespmem:s6+$0x170] =	vst v17;
	v17 =	vsel vm0, v15, v58  }
0x113: {  	p1 =	sne.s32 s25, $0xF;
	[tilespmem:s6+$0x1F0] =	vst v17;
	v17 =	vsel vm0, v15, v61  }
.Ltmp3:
0x114: {  	[tilespmem:s6+$0x70] =	vst v17;
	v17 =	vsel vm0, v15, v18;
	(pc) =	sbr.rel @p1 .LBB2_6-.Ltmp3, $4  }
0x115: {  	[tilespmem:s6+$0xFFFFFE70] =	vst v17;
	v16 =	vsel vm0, v15, v62  }
0x116: {  	v17 =	vsel vm0, v15, v63;
	[tilespmem:s6+$0xFFFFFFF0] =	vst v16  }
0x117: {  	s30 =	sadd.s32 s26, s8;
	s31 =	simm.s32 $0x8000;
	[tilespmem:s6+$0xFFFFFF70] =	vst v17  }
0x118: {  	[hbm4b:s30+s4] =	stream.linear.scatter [tilespmem:s31], [sflag:$0x3], $0x4000, $0x38;
	[tilespmem:$0x10180] =	vst v63  }
.Ltmp4:
0x119: {  	(pc) =	sbr.rel .LBB2_7-.Ltmp4, $4  }
0x11a: {  	_ = 	snop  }
0x11b: {  	_ =	swait.ge [sflag:s20], $0x4000  }
0x11c: {  	[sflag:s20] =	ssyncset.done $0x0  }
0x11d: {  	[sflag:s20] =	ssyncadd.s32 $0xFFFFC000  }
.LBB2_6:
0x11e: {  	s0 =	rddreg [dreg:$0x7]  }
.Ltmp5:
0x11f: {  	s0 =	sadd.s32 s26, s0;
	(pc) =	sbr.rel @p0 .LBB2_8-.Ltmp5, $4  }
0x120: {  	[tilespmem:s4], [sflag:$0x1] =	stream.linear.gather [hbm4b:s0+s4], $0x4000, $0x38;
	[tilespmem:$0x10180] =	vst v63  }
0x121: {  	_ =	swait.ge [sflag:s20], $0x4000  }
0x122: {  	[sflag:s20] =	ssyncset.done $0x0  }
0x123: {  	[sflag:s20] =	ssyncadd.s32 $0xFFFFC000  }
.LBB2_7:
0x124: {  	_ =	swait.ge [sflag:s21], $0x4000  }
0x125: {  	[sflag:s21] =	ssyncset.done $0x0  }
0x126: {  	[sflag:s21] =	ssyncadd.s32 $0xFFFFC000  }
.LBB2_8:
0x127: {  	s14 =	simm.s32 $0x280  }
0x128: {  	s23 =	simm.s32 $0x380;
	v16 =	vadd.s32 s14, v0  }
0x129: {  	s24 =	simm.s32 $0x300;
	v18 =	vadd.s32 s23, v0  }
0x12a: {  	s6 =	simm.s32 $0x0;
	v17 =	vadd.s32 s24, v0  }
0x12b: {  	s29 =	simm.s32 $0x180;
	v19 =	vadd.s32 s6, v0  }
0x12c: {  	v23 =	vadd.s32 s29, v0  }
0x12d: {  	s11 =	simm.s32 $0x80;
	v16 =	vld.idx.msk [tilespmem:v16+s17+$0x0], $0xffff  }
0x12e: {  	v22 =	vadd.s32 s11, v0;
	v18 =	vld.idx.msk [tilespmem:v18+s17+$0x0], $0xffff  }
0x12f: {  	v20 =	vadd.s32 s14, v1;
	v17 =	vld.idx.msk [tilespmem:v17+s17+$0x0], $0xffff  }
0x130: {  	v24 =	vadd.s32 s23, v1;
	v19 =	vld.idx.msk [tilespmem:v19+s17+$0x0], $0xffff  }
0x131: {  	s2 =	simm.s32 $0x580;
	v21 =	vadd.s32 s24, v1;
	v23 =	vld.idx.msk [tilespmem:v23+s17+$0x0], $0xffff  }
0x132: {  	s28 =	simm.s32 $0xC200;
	v29 =	vadd.s32 s2, v0;
	v16 =	vsel vm7, v8, v16  }
0x133: {  	s30 =	simm.s32 $0x100;
	v27 =	vadd.s32 s29, v1;
	v22 =	vld.idx.msk [tilespmem:v22+s17+$0x0], $0xffff;
	v18 =	vsel vm7, v8, v18;
	[tilespmem:s28+$0x80] =	vst v16  }
0x134: {  	s7 =	simm.s32 $0x200;
	v16 =	vsel vm7, v8, v17;
	v17 =	vadd.s32 s30, v0;
	[tilespmem:s28+$0x180] =	vst v18;
	v20 =	vld.idx.msk [tilespmem:v20+s17+$0x0], $0xffff  }
0x135: {  	v19 =	vsel vm7, v8, v19;
	[tilespmem:s28+$0x100] =	vst v16;
	v16 =	vadd.s32 s7, v0;
	v24 =	vld.idx.msk [tilespmem:v24+s17+$0x0], $0xffff  }
0x136: {  	v25 =	vadd.s32 s14, v2;
	[tilespmem:s28+$0xFFFFFE00] =	vst v19;
	v19 =	vsel vm7, v8, v23;
	v21 =	vld.idx.msk [tilespmem:v21+s17+$0x0], $0xffff  }
0x137: {  	v28 =	vadd.s32 s23, v2;
	v29 =	vld.idx.msk [tilespmem:v29+s17+$0x0], $0xffff;
	[tilespmem:s28+$0xFFFFFF80] =	vst v19  }
0x138: {  	s16 =	simm.s32 $0x700;
	v26 =	vadd.s32 s24, v2;
	v22 =	vsel vm7, v8, v22;
	v27 =	vld.idx.msk [tilespmem:v27+s17+$0x0], $0xffff  }
0x139: {  	v33 =	vadd.s32 s16, v0;
	[tilespmem:s28+$0xFFFFFE80] =	vst v22;
	v17 =	vld.idx.msk [tilespmem:v17+s17+$0x0], $0xffff;
	v20 =	vsel vm6, v9, v20  }
0x13a: {  	v18 =	vadd.s32 s6, v1;
	v16 =	vld.idx.msk [tilespmem:v16+s17+$0x0], $0xffff;
	v24 =	vsel vm6, v9, v24;
	[tilespmem:s28+$0x90] =	vst v20  }
0x13b: {  	v20 =	vsel vm6, v9, v21;
	v21 =	vadd.s32 s11, v1;
	[tilespmem:s28+$0x190] =	vst v24;
	v25 =	vld.idx.msk [tilespmem:v25+s17+$0x0], $0xffff  }
0x13c: {  	v24 =	vadd.s32 s7, v1;
	[tilespmem:s28+$0x110] =	vst v20;
	v22 =	vld.idx.msk [tilespmem:v28+s17+$0x0], $0xffff  }
0x13d: {  	s5 =	simm.s32 $0xC600;
	v29 =	vsel vm7, v8, v29;
	v28 =	vadd.s32 s29, v2;
	v23 =	vld.idx.msk [tilespmem:v26+s17+$0x0], $0xffff  }
0x13e: {  	[tilespmem:s5+$0xFFFFFF80] =	vst v29;
	v29 =	vld.idx.msk [tilespmem:v33+s17+$0x0], $0xffff;
	v19 =	vadd.s32 s14, v3;
	v17 =	vsel vm7, v8, v17  }
0x13f: {  	v18 =	vld.idx.msk [tilespmem:v18+s17+$0x0], $0xffff;
	v26 =	vadd.s32 s24, v3;
	[tilespmem:s28+$0xFFFFFF00] =	vst v17;
	v16 =	vsel vm7, v8, v16  }
0x140: {  	v20 =	vadd.s32 s30, v1;
	v21 =	vld.idx.msk [tilespmem:v21+s17+$0x0], $0xffff;
	[tilespmem:s28+$0x0] =	vst v16;
	v16 =	vsel vm6, v9, v27  }
0x141: {  	v17 =	vsel vm5, v10, v25;
	v25 =	vadd.s32 s23, v3;
	[tilespmem:s28+$0xFFFFFF90] =	vst v16;
	v16 =	vld.idx.msk [tilespmem:v24+s17+$0x0], $0xffff  }
0x142: {  	[tilespmem:s28+$0xA0] =	vst v17;
	v17 =	vsel vm5, v10, v23;
	v23 =	vadd.s32 s11, v2;
	v27 =	vld.idx.msk [tilespmem:v28+s17+$0x0], $0xffff  }
0x143: {  	v19 =	vld.idx.msk [tilespmem:v19+s17+$0x0], $0xffff;
	[tilespmem:s28+$0x120] =	vst v17;
	v17 =	vadd.s32 s6, v2  }
0x144: {  	v22 =	vsel vm5, v10, v22;
	v28 =	vadd.s32 s7, v2;
	v26 =	vld.idx.msk [tilespmem:v26+s17+$0x0], $0xffff  }
0x145: {  	v20 =	vld.idx.msk [tilespmem:v20+s17+$0x0], $0xffff;
	v24 =	vadd.s32 s14, v4;
	[tilespmem:s28+$0x1A0] =	vst v22;
	v21 =	vsel vm6, v9, v21  }
0x146: {  	v18 =	vsel vm6, v9, v18;
	v22 =	vadd.s32 s24, v4;
	[tilespmem:s28+$0xFFFFFE90] =	vst v21;
	v21 =	vld.idx.msk [tilespmem:v25+s17+$0x0], $0xffff  }
0x147: {  	[tilespmem:s28+$0xFFFFFE10] =	vst v18;
	v25 =	vadd.s32 s29, v3;
	v16 =	vsel vm6, v9, v16;
	v23 =	vld.idx.msk [tilespmem:v23+s17+$0x0], $0xffff  }
0x148: {  	[tilespmem:s28+$0x10] =	vst v16;
	v18 =	vsel vm4, v11, v19;
	v17 =	vld.idx.msk [tilespmem:v17+s17+$0x0], $0xffff;
	v19 =	vadd.s32 s23, v4  }
0x149: {  	v16 =	vsel vm5, v10, v27;
	v27 =	vld.idx.msk [tilespmem:v28+s17+$0x0], $0xffff;
	[tilespmem:s28+$0xB0] =	vst v18;
	v18 =	vsel vm4, v11, v26;
	v26 =	vadd.s32 s11, v3  }
0x14a: {  	v24 =	vld.idx.msk [tilespmem:v24+s17+$0x0], $0xffff;
	[tilespmem:s28+$0x130] =	vst v18;
	v18 =	vadd.s32 s6, v3  }
0x14b: {  	[tilespmem:s28+$0xFFFFFFA0] =	vst v16;
	v28 =	vadd.s32 s7, v3;
	v22 =	vld.idx.msk [tilespmem:v22+s17+$0x0], $0xffff;
	v21 =	vsel vm4, v11, v21  }
0x14c: {  	v16 =	vadd.s32 s14, v5;
	v23 =	vsel vm5, v10, v23;
	[tilespmem:s28+$0x1B0] =	vst v21;
	v21 =	vld.idx.msk [tilespmem:v25+s17+$0x0], $0xffff  }
0x14d: {  	v25 =	vadd.s32 s24, v5;
	[tilespmem:s28+$0xFFFFFEA0] =	vst v23;
	v19 =	vld.idx.msk [tilespmem:v19+s17+$0x0], $0xffff;
	v17 =	vsel vm5, v10, v17  }
0x14e: {  	s13 =	simm.s32 $0x480;
	v23 =	vld.idx.msk [tilespmem:v26+s17+$0x0], $0xffff;
	[tilespmem:s28+$0xFFFFFE20] =	vst v17;
	v26 =	vsel vm5, v10, v27;
	v27 =	vadd.s32 s30, v2  }
0x14f: {  	v17 =	vsel vm3, v12, v24;
	v18 =	vld.idx.msk [tilespmem:v18+s17+$0x0], $0xffff;
	[tilespmem:s28+$0x20] =	vst v26;
	v26 =	vadd.s32 s13, v0  }
0x150: {  	s3 =	simm.s32 $0x600;
	v24 =	vadd.s32 s29, v4;
	[tilespmem:s28+$0xC0] =	vst v17;
	v17 =	vsel vm3, v12, v22;
	v28 =	vld.idx.msk [tilespmem:v28+s17+$0x0], $0xffff  }
0x151: {  	s31 =	simm.s32 $0x400;
	v30 =	vadd.s32 s3, v0;
	v20 =	vsel vm6, v9, v20;
	v16 =	vld.idx.msk [tilespmem:v16+s17+$0x0], $0xffff;
	[tilespmem:s28+$0x140] =	vst v17  }
0x152: {  	[tilespmem:s28+$0xFFFFFF10] =	vst v20;
	v17 =	vadd.s32 s31, v0;
	v25 =	vld.idx.msk [tilespmem:v25+s17+$0x0], $0xffff  }
0x153: {  	v22 =	vadd.s32 s23, v5;
	v21 =	vsel vm4, v11, v21;
	v27 =	vld.idx.msk [tilespmem:v27+s17+$0x0], $0xffff  }
0x154: {  	v32 =	vadd.s32 s6, v4;
	[tilespmem:s28+$0xFFFFFFB0] =	vst v21;
	v19 =	vsel vm3, v12, v19;
	v26 =	vld.idx.msk [tilespmem:v26+s17+$0x0], $0xffff  }
0x155: {  	s0 =	simm.s32 $0x500;
	v21 =	vadd.s32 s24, v6;
	[tilespmem:s28+$0x1C0] =	vst v19;
	v19 =	vld.idx.msk [tilespmem:v24+s17+$0x0], $0xffff;
	v18 =	vsel vm4, v11, v18  }
0x156: {  	s1 =	simm.s32 $0x680;
	v24 =	vadd.s32 s0, v0;
	[tilespmem:s28+$0xFFFFFE30] =	vst v18;
	v18 =	vld.idx.msk [tilespmem:v30+s17+$0x0], $0xffff  }
0x157: {  	s15 =	simm.s32 $0x780;
	v17 =	vld.idx.msk [tilespmem:v17+s17+$0x0], $0xffff;
	v20 =	vsel vm2, v13, v25;
	v25 =	vadd.s32 s1, v0  }
0x158: {  	v22 =	vld.idx.msk [tilespmem:v22+s17+$0x0], $0xffff;
	v16 =	vsel vm2, v13, v16;
	[tilespmem:s28+$0x150] =	vst v20;
	v20 =	vadd.s32 s15, v0  }
0x159: {  	v31 =	vadd.s32 s31, v1;
	v32 =	vld.idx.msk [tilespmem:v32+s17+$0x0], $0xffff;
	[tilespmem:s28+$0xD0] =	vst v16;
	v26 =	vsel vm7, v8, v26  }
0x15a: {  	v30 =	vadd.s32 s23, v6;
	v21 =	vld.idx.msk [tilespmem:v21+s17+$0x0], $0xffff;
	v19 =	vsel vm3, v12, v19;
	[tilespmem:s5+$0xFFFFFE80] =	vst v26  }
0x15b: {  	v24 =	vld.idx.msk [tilespmem:v24+s17+$0x0], $0xffff;
	v26 =	vadd.s32 s2, v1;
	[tilespmem:s28+$0xFFFFFFC0] =	vst v19;
	v18 =	vsel vm7, v8, v18  }
0x15c: {  	v19 =	vadd.s32 s16, v1;
	v16 =	vsel vm7, v8, v17;
	[tilespmem:s5+$0x0] =	vst v18;
	v17 =	vld.idx.msk [tilespmem:v25+s17+$0x0], $0xffff  }
0x15d: {  	v18 =	vsel vm7, v8, v29;
	v29 =	vadd.s32 s14, v6;
	[tilespmem:s5+$0xFFFFFE00] =	vst v16;
	v16 =	vsel vm2, v13, v22;
	v20 =	vld.idx.msk [tilespmem:v20+s17+$0x0], $0xffff  }
0x15e: {  	v23 =	vsel vm4, v11, v23;
	v22 =	vadd.s32 s11, v4;
	[tilespmem:s28+$0x1D0] =	vst v16;
	v16 =	vld.idx.msk [tilespmem:v31+s17+$0x0], $0xffff  }
0x15f: {  	[tilespmem:s28+$0xFFFFFEB0] =	vst v23;
	v25 =	vadd.s32 s13, v1;
	v23 =	vld.idx.msk [tilespmem:v30+s17+$0x0], $0xffff  }
0x160: {  	v28 =	vsel vm4, v11, v28;
	[tilespmem:s5+$0x100] =	vst v18;
	v18 =	vadd.s32 s7, v4;
	v26 =	vld.idx.msk [tilespmem:v26+s17+$0x0], $0xffff  }
0x161: {  	[tilespmem:s28+$0x30] =	vst v28;
	v27 =	vsel vm5, v10, v27;
	v31 =	vadd.s32 s30, v3;
	v19 =	vld.idx.msk [tilespmem:v19+s17+$0x0], $0xffff  }
0x162: {  	[tilespmem:s28+$0xFFFFFF20] =	vst v27;
	v27 =	vadd.s32 s1, v1;
	v21 =	vsel vm1, v14, v21;
	v29 =	vld.idx.msk [tilespmem:v29+s17+$0x0], $0xffff  }
0x163: {  	v30 =	vadd.s32 s24, v7;
	v24 =	vsel vm7, v8, v24;
	[tilespmem:s28+$0x160] =	vst v21;
	v22 =	vld.idx.msk [tilespmem:v22+s17+$0x0], $0xffff  }
0x164: {  	v56 =	vadd.s32 s15, v1;
	[tilespmem:s5+$0xFFFFFF00] =	vst v24;
	v25 =	vld.idx.msk [tilespmem:v25+s17+$0x0], $0xffff;
	v17 =	vsel vm7, v8, v17  }
0x165: {  	v28 =	vadd.s32 s16, v2;
	v18 =	vld.idx.msk [tilespmem:v18+s17+$0x0], $0xffff;
	[tilespmem:s5+$0x80] =	vst v17;
	v20 =	vsel vm7, v8, v20  }
0x166: {  	v17 =	vld.idx.msk [tilespmem:v31+s17+$0x0], $0xffff;
	v31 =	vadd.s32 s0, v1;
	v16 =	vsel vm6, v9, v16;
	[tilespmem:s5+$0x180] =	vst v20  }
0x167: {  	v34 =	vadd.s32 s13, v2;
	v27 =	vld.idx.msk [tilespmem:v27+s17+$0x0], $0xffff;
	v23 =	vsel vm1, v14, v23;
	[tilespmem:s5+$0xFFFFFE10] =	vst v16  }
0x168: {  	v57 =	vadd.s32 s30, v4;
	v21 =	vld.idx.msk [tilespmem:v30+s17+$0x0], $0xffff;
	[tilespmem:s28+$0x1E0] =	vst v23;
	v19 =	vsel vm6, v9, v19  }
0x169: {  	v30 =	vadd.s32 s1, v2;
	v20 =	vld.idx.msk [tilespmem:v56+s17+$0x0], $0xffff;
	v26 =	vsel vm6, v9, v26;
	[tilespmem:s5+$0x110] =	vst v19  }
0x16a: {  	v23 =	vadd.s32 s11, v5;
	[tilespmem:s5+$0xFFFFFF90] =	vst v26;
	v25 =	vsel vm6, v9, v25;
	v28 =	vld.idx.msk [tilespmem:v28+s17+$0x0], $0xffff  }
0x16b: {  	v24 =	vadd.s32 s15, v2;
	[tilespmem:s5+$0xFFFFFE90] =	vst v25;
	v25 =	vld.idx.msk [tilespmem:v31+s17+$0x0], $0xffff;
	v17 =	vsel vm4, v11, v17  }
0x16c: {  	v31 =	vld.idx.msk [tilespmem:v34+s17+$0x0], $0xffff;
	v27 =	vsel vm6, v9, v27;
	[tilespmem:s28+$0xFFFFFF30] =	vst v17;
	v17 =	vadd.s32 s3, v1  }
0x16d: {  	v59 =	vadd.s32 s16, v3;
	v19 =	vsel vm3, v12, v22;
	[tilespmem:s5+$0x90] =	vst v27;
	v22 =	vld.idx.msk [tilespmem:v57+s17+$0x0], $0xffff  }
0x16e: {  	[tilespmem:s28+$0xFFFFFEC0] =	vst v19;
	v20 =	vsel vm6, v9, v20;
	v27 =	vadd.s32 s2, v2;
	v30 =	vld.idx.msk [tilespmem:v30+s17+$0x0], $0xffff  }
0x16f: {  	v18 =	vsel vm3, v12, v18;
	v23 =	vld.idx.msk [tilespmem:v23+s17+$0x0], $0xffff;
	[tilespmem:s5+$0x190] =	vst v20;
	v20 =	vadd.s32 s13, v3  }
0x170: {  	v58 =	vadd.s32 s1, v3;
	[tilespmem:s28+$0x40] =	vst v18;
	v24 =	vld.idx.msk [tilespmem:v24+s17+$0x0], $0xffff;
	v28 =	vsel vm5, v10, v28  }
0x171: {  	[tilespmem:s5+$0x120] =	vst v28;
	v28 =	vadd.s32 s7, v5;
	v19 =	vsel vm5, v10, v31;
	v17 =	vld.idx.msk [tilespmem:v17+s17+$0x0], $0xffff  }
0x172: {  	v26 =	vadd.s32 s15, v3;
	v31 =	vsel vm3, v12, v32;
	v16 =	vld.idx.msk [tilespmem:v59+s17+$0x0], $0xffff;
	[tilespmem:s5+$0xFFFFFEA0] =	vst v19  }
0x173: {  	v19 =	vld.idx.msk [tilespmem:v27+s17+$0x0], $0xffff;
	v27 =	vadd.s32 s30, v5;
	[tilespmem:s28+$0xFFFFFE40] =	vst v31;
	v30 =	vsel vm5, v10, v30  }
0x174: {  	v31 =	vadd.s32 s31, v2;
	v22 =	vsel vm3, v12, v22;
	v20 =	vld.idx.msk [tilespmem:v20+s17+$0x0], $0xffff;
	[tilespmem:s5+$0xA0] =	vst v30  }
0x175: {  	[tilespmem:s28+$0xFFFFFF40] =	vst v22;
	v22 =	vadd.s32 s14, v7;
	v24 =	vsel vm5, v10, v24;
	v30 =	vld.idx.msk [tilespmem:v58+s17+$0x0], $0xffff  }
0x176: {  	v60 =	vadd.s32 s3, v2;
	[tilespmem:s5+$0x1A0] =	vst v24;
	v28 =	vld.idx.msk [tilespmem:v28+s17+$0x0], $0xffff  }
0x177: {  	v23 =	vsel vm2, v13, v23;
	v24 =	vadd.s32 s6, v5;
	v26 =	vld.idx.msk [tilespmem:v26+s17+$0x0], $0xffff  }
0x178: {  	v61 =	vadd.s32 s1, v4;
	[tilespmem:s28+$0xFFFFFED0] =	vst v23;
	v23 =	vsel vm1, v14, v29;
	v27 =	vld.idx.msk [tilespmem:v27+s17+$0x0], $0xffff  }
0x179: {  	v29 =	vadd.s32 s15, v4;
	[tilespmem:s28+$0xE0] =	vst v23;
	v17 =	vsel vm6, v9, v17;
	v31 =	vld.idx.msk [tilespmem:v31+s17+$0x0], $0xffff  }
0x17a: {  	v23 =	vadd.s32 s2, v3;
	v16 =	vsel vm4, v11, v16;
	[tilespmem:s5+$0x10] =	vst v17;
	v18 =	vld.idx.msk [tilespmem:v22+s17+$0x0], $0xffff  }
0x17b: {  	[tilespmem:s5+$0x130] =	vst v16;
	v22 =	vadd.s32 s16, v4;
	v33 =	vld.idx.msk [tilespmem:v60+s17+$0x0], $0xffff;
	v17 =	vsel vm4, v11, v30  }
0x17c: {  	v24 =	vld.idx.msk [tilespmem:v24+s17+$0x0], $0xffff;
	v30 =	vadd.s32 s31, v3;
	v26 =	vsel vm4, v11, v26;
	[tilespmem:s5+$0xB0] =	vst v17  }
0x17d: {  	v17 =	vsel vm5, v10, v19;
	v19 =	vld.idx.msk [tilespmem:v61+s17+$0x0], $0xffff;
	[tilespmem:s5+$0x1B0] =	vst v26;
	v26 =	vadd.s32 s11, v6  }
0x17e: {  	v28 =	vsel vm2, v13, v28;
	[tilespmem:s5+$0xFFFFFFA0] =	vst v17;
	v35 =	vld.idx.msk [tilespmem:v29+s17+$0x0], $0xffff;
	v29 =	vadd.s32 s6, v6  }
0x17f: {  	[tilespmem:s28+$0x50] =	vst v28;
	v17 =	vsel vm5, v10, v31;
	v31 =	vld.idx.msk [tilespmem:v23+s17+$0x0], $0xffff;
	v23 =	vadd.s32 s29, v5  }
0x180: {  	v27 =	vsel vm2, v13, v27;
	[tilespmem:s5+$0xFFFFFE20] =	vst v17;
	v22 =	vld.idx.msk [tilespmem:v22+s17+$0x0], $0xffff;
	v16 =	vsel vm0, v15, v18;
	v18 =	vadd.s32 s23, v7  }
0x181: {  	v62 =	vadd.s32 s1, v5;
	[tilespmem:s28+$0xFFFFFF50] =	vst v27;
	v30 =	vld.idx.msk [tilespmem:v30+s17+$0x0], $0xffff;
	v17 =	vsel vm2, v13, v24  }
0x182: {  	v39 =	vadd.s32 s3, v3;
	[tilespmem:s28+$0xFFFFFE50] =	vst v17;
	v24 =	vld.idx.msk [tilespmem:v26+s17+$0x0], $0xffff  }
0x183: {  	[tilespmem:s28+$0xF0] =	vst v16;
	v16 =	vsel vm5, v10, v33;
	v26 =	vadd.s32 s7, v6;
	v36 =	vld.idx.msk [tilespmem:v29+s17+$0x0], $0xffff  }
0x184: {  	v37 =	vadd.s32 s16, v5;
	[tilespmem:s5+$0x20] =	vst v16;
	v63 =	vsel vm3, v12, v19;
	v29 =	vadd.s32 s30, v6;
	v38 =	vld.idx.msk [tilespmem:v23+s17+$0x0], $0xffff  }
0x185: {  	v34 =	vadd.s32 s29, v6;
	v28 =	vsel vm0, v15, v21;
	[tilespmem:s5+$0xC0] =	vst v63;
	v27 =	vld.idx.msk [tilespmem:v18+s17+$0x0], $0xffff;
	v22 =	vsel vm3, v12, v22  }
0x186: {  	v21 =	vadd.s32 s2, v4;
	v23 =	vsel vm6, v9, v25;
	v25 =	vld.idx.msk [tilespmem:v62+s17+$0x0], $0xffff;
	[tilespmem:s5+$0x140] =	vst v22;
	v22 =	vsel vm4, v11, v30  }
0x187: {  	v16 =	vadd.s32 s13, v7;
	v17 =	vadd.s32 s11, v7;
	v31 =	vsel vm4, v11, v31;
	[tilespmem:s5+$0xFFFFFE30] =	vst v22;
	v22 =	vld.idx.msk [tilespmem:v39+s17+$0x0], $0xffff  }
0x188: {  	v19 =	vadd.s32 s0, v2;
	v18 =	vadd.s32 s0, v3;
	[tilespmem:s5+$0xFFFFFFB0] =	vst v31;
	v31 =	vadd.s32 s6, v7;
	v33 =	vld.idx.msk [tilespmem:v26+s17+$0x0], $0xffff  }
0x189: {  	v30 =	vsel vm1, v14, v24;
	v24 =	vsel vm3, v12, v35;
	v32 =	vld.idx.msk [tilespmem:v29+s17+$0x0], $0xffff;
	v29 =	vadd.s32 s15, v5  }
0x18a: {  	s11 =	simm.s32 $0x10;
	s6 =	simm.s32 $0xC600;
	v26 =	vld.idx.msk [tilespmem:v37+s17+$0x0], $0xffff;
	v35 =	vsel vm1, v14, v36;
	[tilespmem:s5+$0x1C0] =	vst v24;
	v36 =	vsel vm2, v13, v38;
	v24 =	vadd.s32 s7, v7  }
.LBB2_9:
0x18b: {  	s7 =	sshll.u32 s11, $0x7  }
0x18c: {  	p0 =	slt.u32 s11, $0x78;
	s11 =	sadd.s32 $0x8, s11;
	v37 =	vld.idx.msk [tilespmem:v21+s17+$0x0], $0xffff;
	[tilespmem:s28+$0xFFFFFFD0] =	vst v36;
	v38 =	vadd.s32 s30, v7;
	s30 =	smov.u32 s0  }
0x18d: {  	v27 =	vsel vm0, v15, v27;
	v20 =	vsel vm4, v11, v20;
	v36 =	vadd.s32 s7, v0;
	s24 =	sadd.s32 $0x80, s7;
	s19 =	sadd.s32 $0x300, s7;
	s14 =	sadd.s32 $0x380, s7;
	v34 =	vld.idx.msk [tilespmem:v34+s17+$0x0], $0xffff;
	[tilespmem:s28+$0x170] =	vst v28  }
0x18e: {  	s23 =	sadd.s32 $0x200, s7;
	v33 =	vsel vm1, v14, v33;
	s0 =	sadd.s32 $0x100, s7;
	s9 =	sadd.s32 $0x180, s7;
	v28 =	vadd.s32 s24, v0;
	v21 =	vadd.s32 s19, v3;
	v29 =	vld.idx.msk [tilespmem:v29+s17+$0x0], $0xffff;
	[tilespmem:s28+$0xFFFFFE60] =	vst v35  }
0x18f: {  	v35 =	vadd.s32 s0, v0;
	v32 =	vsel vm1, v14, v32;
	v39 =	vadd.s32 s9, v0;
	v31 =	vld.idx.msk [tilespmem:v31+s17+$0x0], $0xffff;
	[tilespmem:s28+$0x60] =	vst v33  }
0x190: {  	v33 =	vadd.s32 s24, v7;
	[tilespmem:s28+$0xFFFFFEE0] =	vst v30;
	v30 =	vadd.s32 s29, v7;
	v24 =	vld.idx.msk [tilespmem:v24+s17+$0x0], $0xffff;
	s29 =	smov.u32 s2;
	s2 =	smov.u32 s9  }
0x191: {  	v40 =	vadd.s32 s23, v0;
	s9 =	sadd.s32 $0x280, s7;
	v41 =	vld.idx.msk [tilespmem:v17+s17+$0x0], $0xffff;
	[tilespmem:s28+$0xFFFFFF60] =	vst v32;
	v17 =	vmov v16;
	v16 =	vmov v33  }
0x192: {  	v25 =	vsel vm2, v13, v25;
	v32 =	vadd.s32 s9, v0;
	v33 =	vadd.s32 s16, v6;
	v38 =	vld.idx.msk [tilespmem:v38+s17+$0x0], $0xffff;
	[tilespmem:s28+$0x1F0] =	vst v27  }
0x193: {  	v27 =	vld.idx.msk [tilespmem:v36+s17+$0x0], $0xffff;
	v36 =	vadd.s32 s19, v0;
	[tilespmem:s5+$0xD0] =	vst v25;
	v25 =	vsel vm1, v14, v34  }
0x194: {  	v34 =	vld.idx.msk [tilespmem:v28+s17+$0x0], $0xffff;
	v28 =	vadd.s32 s14, v0;
	[tilespmem:s28+$0xFFFFFFE0] =	vst v25  }
0x195: {  	[tilespmem:s5+$0xFFFFFF10] =	vst v23;
	v23 =	vsel vm2, v13, v26;
	v25 =	vld.idx.msk [tilespmem:v30+s17+$0x0], $0xffff  }
0x196: {  	v26 =	vadd.s32 s7, v1;
	v19 =	vld.idx.msk [tilespmem:v19+s17+$0x0], $0xffff;
	[tilespmem:s5+$0x150] =	vst v23;
	v23 =	vsel vm0, v15, v24  }
0x197: {  	v31 =	vsel vm0, v15, v31;
	v24 =	vadd.s32 s0, v1;
	v30 =	vld.idx.msk [tilespmem:v33+s17+$0x0], $0xffff;
	v33 =	vsel vm0, v15, v41;
	[tilespmem:s28+$0x70] =	vst v23  }
0x198: {  	s5 =	sadd.s32 $0x400, s5;
	v41 =	vadd.s32 s2, v1;
	v35 =	vld.idx.msk [tilespmem:v35+s17+$0x0], $0xffff;
	[tilespmem:s28+$0xFFFFFEF0] =	vst v33  }
0x199: {  	v23 =	vadd.s32 s23, v1;
	v27 =	vsel vm7, v8, v27;
	v33 =	vld.idx.msk [tilespmem:v39+s17+$0x0], $0xffff;
	v39 =	vadd.s32 s31, v4;
	[tilespmem:s28+$0xFFFFFE70] =	vst v31  }
0x19a: {  	v42 =	vadd.s32 s15, v6;
	[tilespmem:s5+$0xFFFFFE00] =	vst v27;
	v31 =	vld.idx.msk [tilespmem:v40+s17+$0x0], $0xffff;
	v40 =	vadd.s32 s9, v1;
	v27 =	vsel vm2, v13, v29  }
0x19b: {  	v43 =	vadd.s32 s19, v1;
	v25 =	vsel vm0, v15, v25;
	v32 =	vld.idx.msk [tilespmem:v32+s17+$0x0], $0xffff;
	[tilespmem:s6+$0x1D0] =	vst v27  }
0x19c: {  	v46 =	vadd.s32 s13, v4;
	v45 =	vadd.s32 s14, v1;
	v27 =	vsel vm0, v15, v38;
	v44 =	vld.idx.msk [tilespmem:v28+s17+$0x0], $0xffff;
	[tilespmem:s28+$0xFFFFFFF0] =	vst v25  }
0x19d: {  	v19 =	vsel vm5, v10, v19;
	v25 =	vadd.s32 s24, v1;
	v29 =	vld.idx.msk [tilespmem:v26+s17+$0x0], $0xffff;
	[tilespmem:s28+$0xFFFFFF70] =	vst v27;
	s28 =	smov.u32 s6;
	s6 =	smov.u32 s5  }
0x19e: {  	v28 =	vadd.s32 s7, v2;
	v38 =	vld.idx.msk [tilespmem:v39+s17+$0x0], $0xffff;
	[tilespmem:s28+$0xFFFFFF20] =	vst v19  }
0x19f: {  	v19 =	vadd.s32 s0, v2;
	v26 =	vsel vm7, v8, v33;
	[tilespmem:s28+$0xFFFFFEB0] =	vst v20;
	v20 =	vld.idx.msk [tilespmem:v42+s17+$0x0], $0xffff  }
0x1a0: {  	v27 =	vsel vm7, v8, v34;
	v33 =	vadd.s32 s2, v2;
	[tilespmem:s5+$0xFFFFFF80] =	vst v26;
	v34 =	vld.idx.msk [tilespmem:v36+s17+$0x0], $0xffff;
	v26 =	vadd.s32 s16, v7;
	s16 =	smov.u32 s19  }
0x1a1: {  	v37 =	vsel vm3, v12, v37;
	[tilespmem:s5+$0xFFFFFE80] =	vst v27;
	v27 =	vadd.s32 s23, v2;
	v36 =	vld.idx.msk [tilespmem:v46+s17+$0x0], $0xffff  }
0x1a2: {  	v39 =	vld.idx.msk [tilespmem:v25+s17+$0x0], $0xffff;
	v25 =	vsel vm7, v8, v32;
	v32 =	vadd.s32 s9, v2;
	[tilespmem:s28+$0xFFFFFFC0] =	vst v37  }
0x1a3: {  	v37 =	vadd.s32 s16, v2;
	[tilespmem:s5+$0x80] =	vst v25;
	v42 =	vld.idx.msk [tilespmem:v18+s17+$0x0], $0xffff;
	v18 =	vsel vm1, v14, v30  }
0x1a4: {  	v25 =	vsel vm7, v8, v44;
	v30 =	vld.idx.msk [tilespmem:v40+s17+$0x0], $0xffff;
	v40 =	vadd.s32 s14, v2;
	[tilespmem:s28+$0x160] =	vst v18  }
0x1a5: {  	v44 =	vadd.s32 s24, v2;
	v18 =	vsel vm7, v8, v31;
	[tilespmem:s5+$0x180] =	vst v25;
	v25 =	vld.idx.msk [tilespmem:v26+s17+$0x0], $0xffff  }
0x1a6: {  	v26 =	vadd.s32 s7, v3;
	v31 =	vsel vm7, v8, v34;
	[tilespmem:s5+$0x0] =	vst v18;
	v34 =	vld.idx.msk [tilespmem:v45+s17+$0x0], $0xffff;
	v45 =	vadd.s32 s1, v6  }
0x1a7: {  	v35 =	vsel vm7, v8, v35;
	v18 =	vadd.s32 s0, v3;
	v41 =	vld.idx.msk [tilespmem:v41+s17+$0x0], $0xffff;
	[tilespmem:s5+$0x100] =	vst v31;
	v31 =	vadd.s32 s3, v4  }
0x1a8: {  	v39 =	vsel vm6, v9, v39;
	[tilespmem:s5+$0xFFFFFF00] =	vst v35;
	v35 =	vadd.s32 s2, v3;
	v43 =	vld.idx.msk [tilespmem:v43+s17+$0x0], $0xffff  }
0x1a9: {  	v22 =	vsel vm4, v11, v22;
	[tilespmem:s5+$0xFFFFFE90] =	vst v39;
	v39 =	vld.idx.msk [tilespmem:v24+s17+$0x0], $0xffff;
	v24 =	vadd.s32 s23, v3  }
0x1aa: {  	v47 =	vadd.s32 s30, v4;
	v46 =	vadd.s32 s9, v3;
	v20 =	vsel vm1, v14, v20;
	v44 =	vld.idx.msk [tilespmem:v44+s17+$0x0], $0xffff;
	[tilespmem:s28+$0x30] =	vst v22  }
0x1ab: {  	v22 =	vsel vm6, v9, v30;
	v30 =	vld.idx.msk [tilespmem:v45+s17+$0x0], $0xffff;
	[tilespmem:s28+$0x1E0] =	vst v20  }
0x1ac: {  	v20 =	vsel vm6, v9, v34;
	[tilespmem:s5+$0x90] =	vst v22;
	v22 =	vadd.s32 s13, v5;
	v31 =	vld.idx.msk [tilespmem:v31+s17+$0x0], $0xffff  }
0x1ad: {  	v34 =	vadd.s32 s24, v3;
	v32 =	vld.idx.msk [tilespmem:v32+s17+$0x0], $0xffff;
	[tilespmem:s5+$0x190] =	vst v20;
	v20 =	vsel vm4, v11, v42  }
0x1ae: {  	v42 =	vsel vm6, v9, v43;
	v40 =	vld.idx.msk [tilespmem:v40+s17+$0x0], $0xffff;
	[tilespmem:s28+$0xFFFFFF30] =	vst v20  }
0x1af: {  	v20 =	vsel vm3, v12, v36;
	[tilespmem:s5+$0x110] =	vst v42;
	v36 =	vld.idx.msk [tilespmem:v47+s17+$0x0], $0xffff  }
0x1b0: {  	v41 =	vsel vm6, v9, v41;
	v42 =	vsel vm5, v10, v44;
	v37 =	vld.idx.msk [tilespmem:v37+s17+$0x0], $0xffff;
	[tilespmem:s28+$0xFFFFFEC0] =	vst v20  }
0x1b1: {  	v38 =	vsel vm3, v12, v38;
	[tilespmem:s5+$0xFFFFFF90] =	vst v41;
	v41 =	vadd.s32 s14, v3;
	v22 =	vld.idx.msk [tilespmem:v22+s17+$0x0], $0xffff  }
0x1b2: {  	[tilespmem:s5+$0xFFFFFEA0] =	vst v42;
	v33 =	vld.idx.msk [tilespmem:v33+s17+$0x0], $0xffff;
	v42 =	vadd.s32 s30, v5  }
0x1b3: {  	v32 =	vsel vm5, v10, v32;
	v20 =	vld.idx.msk [tilespmem:v34+s17+$0x0], $0xffff;
	[tilespmem:s28+$0xFFFFFE40] =	vst v38  }
0x1b4: {  	v34 =	vld.idx.msk [tilespmem:v23+s17+$0x0], $0xffff;
	[tilespmem:s5+$0xA0] =	vst v32;
	v23 =	vsel vm5, v10, v40  }
0x1b5: {  	v38 =	vadd.s32 s31, v5;
	v32 =	vld.idx.msk [tilespmem:v46+s17+$0x0], $0xffff;
	[tilespmem:s5+$0x1A0] =	vst v23;
	v23 =	vsel vm3, v12, v36  }
0x1b6: {  	v40 =	vadd.s32 s1, v7;
	s1 =	smov.u32 s9;
	v36 =	vsel vm5, v10, v37;
	v37 =	vld.idx.msk [tilespmem:v41+s17+$0x0], $0xffff;
	[tilespmem:s28+$0xFFFFFF40] =	vst v23  }
0x1b7: {  	v23 =	vsel vm6, v9, v29;
	[tilespmem:s5+$0x120] =	vst v36;
	v29 =	vld.idx.msk [tilespmem:v42+s17+$0x0], $0xffff;
	v36 =	vadd.s32 s3, v5  }
0x1b8: {  	v22 =	vsel vm2, v13, v22;
	[tilespmem:s5+$0xFFFFFE10] =	vst v23;
	v21 =	vld.idx.msk [tilespmem:v21+s17+$0x0], $0xffff  }
0x1b9: {  	v41 =	vadd.s32 s1, v4;
	v28 =	vld.idx.msk [tilespmem:v28+s17+$0x0], $0xffff;
	[tilespmem:s28+$0xFFFFFED0] =	vst v22;
	v22 =	vsel vm1, v14, v30  }
0x1ba: {  	v31 =	vsel vm3, v12, v31;
	v23 =	vsel vm6, v9, v39;
	v30 =	vadd.s32 s14, v4;
	v38 =	vld.idx.msk [tilespmem:v38+s17+$0x0], $0xffff;
	[tilespmem:s28+$0xE0] =	vst v22  }
0x1bb: {  	v22 =	vsel vm6, v9, v34;
	[tilespmem:s28+$0x40] =	vst v31;
	v31 =	vld.idx.msk [tilespmem:v40+s17+$0x0], $0xffff  }
0x1bc: {  	v34 =	vsel vm4, v11, v37;
	[tilespmem:s5+$0x10] =	vst v22;
	v22 =	vsel vm4, v11, v32;
	v32 =	vadd.s32 s16, v4;
	v36 =	vld.idx.msk [tilespmem:v36+s17+$0x0], $0xffff  }
0x1bd: {  	v27 =	vld.idx.msk [tilespmem:v27+s17+$0x0], $0xffff;
	[tilespmem:s5+$0xB0] =	vst v22  }
0x1be: {  	v22 =	vsel vm5, v10, v33;
	v21 =	vsel vm4, v11, v21;
	v33 =	vld.idx.msk [tilespmem:v41+s17+$0x0], $0xffff;
	[tilespmem:s5+$0x1B0] =	vst v34;
	v34 =	vadd.s32 s13, v6;
	s13 =	smov.u32 s24  }
0x1bf: {  	[tilespmem:s5+$0xFFFFFFA0] =	vst v22;
	v22 =	vld.idx.msk [tilespmem:v30+s17+$0x0], $0xffff;
	v30 =	vadd.s32 s31, v6  }
0x1c0: {  	v28 =	vsel vm5, v10, v28;
	v35 =	vld.idx.msk [tilespmem:v35+s17+$0x0], $0xffff;
	[tilespmem:s5+$0x130] =	vst v21;
	v21 =	vadd.s32 s29, v5  }
0x1c1: {  	[tilespmem:s5+$0xFFFFFE20] =	vst v28;
	v32 =	vld.idx.msk [tilespmem:v32+s17+$0x0], $0xffff;
	v28 =	vsel vm0, v15, v31;
	v31 =	vadd.s32 s15, v7;
	s15 =	smov.u32 s14  }
0x1c2: {  	v37 =	vadd.s32 s1, v5;
	v38 =	vsel vm2, v13, v38;
	v26 =	vld.idx.msk [tilespmem:v26+s17+$0x0], $0xffff;
	[tilespmem:s28+$0xF0] =	vst v28  }
0x1c3: {  	v39 =	vadd.s32 s3, v6;
	v27 =	vsel vm5, v10, v27;
	[tilespmem:s28+$0xFFFFFE50] =	vst v38;
	v38 =	vld.idx.msk [tilespmem:v34+s17+$0x0], $0xffff  }
0x1c4: {  	v41 =	vadd.s32 s30, v6;
	v28 =	vsel vm0, v15, v25;
	[tilespmem:s5+$0x20] =	vst v27;
	v40 =	vld.idx.msk [tilespmem:v30+s17+$0x0], $0xffff;
	v27 =	vsel vm2, v13, v29  }
0x1c5: {  	v42 =	vadd.s32 s16, v5;
	v25 =	vsel vm3, v12, v33;
	[tilespmem:s28+$0xFFFFFF50] =	vst v27;
	v43 =	vld.idx.msk [tilespmem:v21+s17+$0x0], $0xffff  }
0x1c6: {  	v29 =	vsel vm2, v13, v36;
	[tilespmem:s5+$0xC0] =	vst v25;
	v27 =	vld.idx.msk [tilespmem:v31+s17+$0x0], $0xffff  }
.Ltmp6:
0x1c7: {  	v21 =	vadd.s32 s2, v4;
	v30 =	vsel vm3, v12, v32;
	v25 =	vld.idx.msk [tilespmem:v37+s17+$0x0], $0xffff;
	[tilespmem:s28+$0x50] =	vst v29;
	(pc) =	sbr.rel @p0 .LBB2_9-.Ltmp6, $4  }
0x1c8: {  	v34 =	vadd.s32 s29, v6;
	v29 =	vsel vm4, v11, v35;
	[tilespmem:s5+$0x140] =	vst v30;
	v33 =	vld.idx.msk [tilespmem:v39+s17+$0x0], $0xffff  }
0x1c9: {  	v26 =	vsel vm4, v11, v26;
	v30 =	vsel vm1, v14, v38;
	[tilespmem:s5+$0xFFFFFFB0] =	vst v29;
	v29 =	vadd.s32 s15, v5;
	v32 =	vld.idx.msk [tilespmem:v41+s17+$0x0], $0xffff  }
0x1ca: {  	v36 =	vsel vm3, v12, v22;
	v31 =	vadd.s32 s31, v7;
	s31 =	smov.u32 s7;
	v35 =	vsel vm1, v14, v40;
	[tilespmem:s5+$0xFFFFFE30] =	vst v26;
	v26 =	vld.idx.msk [tilespmem:v42+s17+$0x0], $0xffff  }
0x1cb: {  	v22 =	vld.idx.msk [tilespmem:v24+s17+$0x0], $0xffff;
	[tilespmem:s5+$0x1C0] =	vst v36;
	v36 =	vsel vm2, v13, v43;
	v24 =	vadd.s32 s3, v7;
	s3 =	smov.u32 s23  }
0x1cc: {  	[tilespmem:s28+$0xFFFFFFD0] =	vst v36  }
0x1cd: {  	[tilespmem:s28+$0x170] =	vst v28  }
0x1ce: {  	[tilespmem:s28+$0xFFFFFE60] =	vst v35  }
0x1cf: {  	[tilespmem:s5+$0xFFFFFF10] =	vst v23  }
0x1d0: {  	[tilespmem:s28+$0xFFFFFEE0] =	vst v30;
	v27 =	vsel vm0, v15, v27  }
0x1d1: {  	v47 =	vsel vm2, v13, v25;
	v19 =	vld.idx.msk [tilespmem:v19+s17+$0x0], $0xffff;
	[tilespmem:s28+$0x1F0] =	vst v27  }
0x1d2: {  	v54 =	vld.idx.msk [tilespmem:v29+s17+$0x0], $0xffff;
	v55 =	vadd.s32 s13, v4;
	v20 =	vsel vm4, v11, v20;
	[tilespmem:s5+$0xD0] =	vst v47  }
0x1d3: {  	v21 =	vld.idx.msk [tilespmem:v21+s17+$0x0], $0xffff;
	v44 =	vsel vm1, v14, v33;
	[tilespmem:s6+$0xFFFFFEB0] =	vst v20  }
0x1d4: {  	v17 =	vld.idx.msk [tilespmem:v17+s17+$0x0], $0xffff;
	[tilespmem:s28+$0x60] =	vst v44;
	v46 =	vsel vm1, v14, v32  }
0x1d5: {  	[tilespmem:s28+$0xFFFFFF60] =	vst v46;
	v51 =	vsel vm2, v13, v26  }
0x1d6: {  	v50 =	vadd.s32 s30, v7;
	v52 =	vld.idx.msk [tilespmem:v31+s17+$0x0], $0xffff;
	[tilespmem:s5+$0x150] =	vst v51;
	v19 =	vsel vm5, v10, v19  }
0x1d7: {  	v53 =	vadd.s32 s3, v4;
	v61 =	vsel vm2, v13, v54;
	v62 =	vld.idx.msk [tilespmem:v55+s17+$0x0], $0xffff;
	[tilespmem:s6+$0xFFFFFF20] =	vst v19  }
0x1d8: {  	v56 =	vadd.s32 s31, v4;
	v21 =	vsel vm3, v12, v21;
	[tilespmem:s6+$0x1D0] =	vst v61;
	v18 =	vld.idx.msk [tilespmem:v18+s17+$0x0], $0xffff  }
0x1d9: {  	v45 =	vld.idx.msk [tilespmem:v34+s17+$0x0], $0xffff;
	v33 =	vadd.s32 s13, v5;
	v17 =	vsel vm0, v15, v17;
	[tilespmem:s6+$0xFFFFFFC0] =	vst v21  }
0x1da: {  	v59 =	vadd.s32 s0, v4;
	v24 =	vld.idx.msk [tilespmem:v24+s17+$0x0], $0xffff;
	[tilespmem:s28+$0xFFFFFEF0] =	vst v17;
	v17 =	vsel vm4, v11, v22  }
0x1db: {  	v58 =	vld.idx.msk [tilespmem:v50+s17+$0x0], $0xffff;
	v26 =	vsel vm0, v15, v52;
	[tilespmem:s6+$0x30] =	vst v17;
	v17 =	vadd.s32 s16, v6  }
0x1dc: {  	v63 =	vadd.s32 s1, v6;
	[tilespmem:s28+$0xFFFFFE70] =	vst v26;
	v60 =	vld.idx.msk [tilespmem:v53+s17+$0x0], $0xffff;
	v26 =	vsel vm3, v12, v62  }
0x1dd: {  	v48 =	vadd.s32 s29, v7;
	v19 =	vld.idx.msk [tilespmem:v56+s17+$0x0], $0xffff;
	[tilespmem:s6+$0xFFFFFEC0] =	vst v26;
	v18 =	vsel vm4, v11, v18  }
0x1de: {  	v32 =	vadd.s32 s3, v5;
	v49 =	vsel vm1, v14, v45;
	v26 =	vld.idx.msk [tilespmem:v33+s17+$0x0], $0xffff;
	[tilespmem:s6+$0xFFFFFF30] =	vst v18  }
0x1df: {  	v36 =	vadd.s32 s31, v5;
	[tilespmem:s28+$0xFFFFFFE0] =	vst v49;
	v24 =	vsel vm0, v15, v24;
	v35 =	vld.idx.msk [tilespmem:v59+s17+$0x0], $0xffff  }
0x1e0: {  	v38 =	vadd.s32 s2, v5;
	[tilespmem:s28+$0x70] =	vst v24;
	v34 =	vsel vm0, v15, v58;
	v17 =	vld.idx.msk [tilespmem:v17+s17+$0x0], $0xffff  }
0x1e1: {  	v40 =	vadd.s32 s0, v5;
	v39 =	vld.idx.msk [tilespmem:v63+s17+$0x0], $0xffff;
	[tilespmem:s28+$0xFFFFFF70] =	vst v34;
	v37 =	vsel vm3, v12, v60  }
0x1e2: {  	v46 =	vadd.s32 s13, v6;
	v57 =	vld.idx.msk [tilespmem:v48+s17+$0x0], $0xffff;
	v19 =	vsel vm3, v12, v19;
	[tilespmem:s6+$0x40] =	vst v37  }
0x1e3: {  	v42 =	vadd.s32 s1, v7;
	[tilespmem:s6+$0xFFFFFE40] =	vst v19;
	v23 =	vld.idx.msk [tilespmem:v32+s17+$0x0], $0xffff;
	v26 =	vsel vm2, v13, v26  }
0x1e4: {  	v41 =	vadd.s32 s15, v6;
	v44 =	vld.idx.msk [tilespmem:v36+s17+$0x0], $0xffff;
	[tilespmem:s6+$0xFFFFFED0] =	vst v26;
	v43 =	vsel vm3, v12, v35  }
0x1e5: {  	v45 =	vadd.s32 s3, v6;
	v20 =	vld.idx.msk [tilespmem:v38+s17+$0x0], $0xffff;
	v17 =	vsel vm1, v14, v17;
	[tilespmem:s6+$0xFFFFFF40] =	vst v43  }
0x1e6: {  	v47 =	vadd.s32 s31, v6;
	v25 =	vsel vm1, v14, v39;
	[tilespmem:s6+$0x160] =	vst v17;
	v17 =	vld.idx.msk [tilespmem:v40+s17+$0x0], $0xffff  }
0x1e7: {  	v48 =	vadd.s32 s2, v6;
	[tilespmem:s6+$0xE0] =	vst v25;
	v24 =	vsel vm0, v15, v57;
	v21 =	vld.idx.msk [tilespmem:v46+s17+$0x0], $0xffff  }
0x1e8: {  	v49 =	vadd.s32 s0, v6;
	v19 =	vld.idx.msk [tilespmem:v42+s17+$0x0], $0xffff;
	[tilespmem:s28+$0xFFFFFFF0] =	vst v24;
	v23 =	vsel vm2, v13, v23  }
0x1e9: {  	v18 =	vld.idx.msk [tilespmem:v41+s17+$0x0], $0xffff;
	v22 =	vsel vm2, v13, v44;
	[tilespmem:s6+$0x50] =	vst v23  }
0x1ea: {  	v50 =	vadd.s32 s16, v7;
	v20 =	vsel vm2, v13, v20;
	[tilespmem:s6+$0xFFFFFE50] =	vst v22;
	v24 =	vld.idx.msk [tilespmem:v45+s17+$0x0], $0xffff  }
0x1eb: {  	v51 =	vadd.s32 s15, v7;
	[tilespmem:s6+$0xFFFFFFD0] =	vst v20;
	v22 =	vld.idx.msk [tilespmem:v47+s17+$0x0], $0xffff;
	v17 =	vsel vm2, v13, v17  }
0x1ec: {  	v52 =	vadd.s32 s3, v7;
	v21 =	vsel vm1, v14, v21;
	[tilespmem:s6+$0xFFFFFF50] =	vst v17;
	v17 =	vld.idx.msk [tilespmem:v48+s17+$0x0], $0xffff  }
0x1ed: {  	v55 =	vadd.s32 s31, v7;
	v53 =	vsel vm0, v15, v19;
	[tilespmem:s6+$0xFFFFFEE0] =	vst v21;
	v54 =	vld.idx.msk [tilespmem:v49+s17+$0x0], $0xffff  }
0x1ee: {  	v57 =	vadd.s32 s2, v7;
	v18 =	vsel vm1, v14, v18;
	[tilespmem:s6+$0xF0] =	vst v53;
	v16 =	vld.idx.msk [tilespmem:v16+s17+$0x0], $0xffff  }
0x1ef: {  	v59 =	vadd.s32 s0, v7;
	[tilespmem:s6+$0x1E0] =	vst v18;
	v23 =	vld.idx.msk [tilespmem:v50+s17+$0x0], $0xffff;
	v56 =	vsel vm1, v14, v24  }
0x1f0: {  	v58 =	vld.idx.msk [tilespmem:v51+s17+$0x0], $0xffff;
	v60 =	vsel vm1, v14, v22;
	[tilespmem:s6+$0x60] =	vst v56  }
0x1f1: {  	[tilespmem:s6+$0xFFFFFE60] =	vst v60;
	v61 =	vld.idx.msk [tilespmem:v52+s17+$0x0], $0xffff;
	v17 =	vsel vm1, v14, v17  }
0x1f2: {  	v18 =	vld.idx.msk [tilespmem:v55+s17+$0x0], $0xffff;
	v19 =	vsel vm1, v14, v54;
	[tilespmem:s6+$0xFFFFFFE0] =	vst v17  }
0x1f3: {  	v16 =	vsel vm0, v15, v16;
	[tilespmem:s6+$0xFFFFFF60] =	vst v19;
	v62 =	vld.idx.msk [tilespmem:v57+s17+$0x0], $0xffff  }
0x1f4: {  	[tilespmem:s6+$0xFFFFFEF0] =	vst v16;
	v17 =	vsel vm0, v15, v23;
	v63 =	vld.idx.msk [tilespmem:v59+s17+$0x0], $0xffff  }
0x1f5: {  	[tilespmem:s6+$0x170] =	vst v17;
	v17 =	vsel vm0, v15, v58  }
0x1f6: {  	p0 =	seq.s32 s25, $0xF;
	[tilespmem:s6+$0x1F0] =	vst v17;
	v17 =	vsel vm0, v15, v61  }
.Ltmp7:
0x1f7: {  	[tilespmem:s6+$0x70] =	vst v17;
	v17 =	vsel vm0, v15, v18;
	(pc) =	sbr.rel @p0 .LBB2_12-.Ltmp7, $4  }
0x1f8: {  	[tilespmem:s6+$0xFFFFFE70] =	vst v17;
	v16 =	vsel vm0, v15, v62  }
0x1f9: {  	v17 =	vsel vm0, v15, v63;
	[tilespmem:s6+$0xFFFFFFF0] =	vst v16  }
0x1fa: {  	s31 =	sadd.s32 s12, s26;
	[tilespmem:s6+$0xFFFFFF70] =	vst v17  }
0x1fb: {  	[hbm4b:s31+s4] =	stream.linear.scatter [tilespmem:s22], [sflag:$0x4], $0x4000, $0x38;
	[tilespmem:$0x10180] =	vst v63  }
.Ltmp8:
0x1fc: {  	(pc) =	sbr.rel .LBB2_2-.Ltmp8, $3  }
0x1fd: {  	_ =	sdelay $0x1  }
0x1fe: {  	s0 =	sadd.s32 s26, s10;
	s25 =	sadd.s32 $0x1, s25  }
0x1ff: {  	[tilespmem:s17], [sflag:$0x2] =	stream.linear.gather [hbm4b:s0+s4], $0x4000, $0x38;
	[tilespmem:$0x10180] =	vst v63  }
.LBB2_13:
0x200: {  	_ =	sfence.sel $0x180000  }
0x201: {  	[bflag:$0x0] =	sbarrier.arrive $0xFFFF  }
0x202: {  	_ =	strace $0x90000047  }
0x203: {  	s0 =	stileid.u32;
	[bflag:$0x2] =	sbarrier.arrive $0xFFFF  }
0x204: {  	p0 =	sne.s32 s0, $0x0;
	s0 =	rddreg [dreg:$0x3]  }
0x205: {  	s0 =	sadd.s32 @!p0 $0x100000, s0  }
0x206: {  	[sflag:s0] =	ssyncadd.tile.s32 @!p0 $0x1;
	_ =	shalt  }
.Lfunc_end2:
_tile_overlayer_lowered:
.L_overlay_start_2:
0x207: {  	(tag) =	ssettag $0x2  }
0x208: {  	s0 =	rddreg [dreg:$0x0];
	s2 =	stileid.u32  }
0x209: {  	s1 =	rddreg [dreg:$0x1];
	p0 =	sne.s32 s2, $0x0  }
0x20a: {  	s3 =	rddreg [dreg:$0x2];
	[bflag:$0x3] =	sbarrier.arrive $0xFFFF;
	s2 =	simm.s32 @!p0 $0x1C05  }
0x20b: {  	[timem:s3], [sflag:s2] =	dma.local @!p0 [hbm:s0], s1  }
0x20c: {  	s0 =	simm.s32 @!p0 $0x5  }
0x20d: {  	_ =	swait.ge @!p0 [sflag:s0], s1  }
0x20e: {  	s1 =	ssub.s32 @!p0 $0x0, s1;
	[sflag:s0] =	ssyncset.done @!p0 $0x0  }
0x20f: {  	[sflag:s0] =	ssyncadd.s32 @!p0 s1  }
0x210: {  	[bflag:$0x3] =	sbarrier.arrive $0xFFFF  }
0x211: {  	_ =	shalt  }

</sc_bundles>
